<compile_context>
chip_gen: v7x
topology: tpu7x:2x2x1
jax: 0.10.2.dev20260603
libtpu: 0.0.44.dev20260713+nightly
codegen_flags: <defaults>
</compile_context>

<pallas_src>
import functools

import jax
import jax.numpy as jnp
from jax import lax
from jax.experimental import pallas as pl
from jax.experimental.pallas import tpu as pltpu
from jax.experimental.pallas import tpu_sc as plsc

B = 64
Q = 16
KV = 32768
ROWS = B * Q

R_SC = 448
R_TC = ROWS - R_SC

NUM_WORKERS = 32
RPW = R_SC // NUM_WORKERS
SLOT = ((RPW + 15) // 16) * 16
LANES = 16
VECS = KV // LANES
BLK = 16
NBLK = VECS // BLK
BIG = 2 ** 20
INT_MAX = 2 ** 31 - 1

TC_BLK_R = 64


def _bfly_max(v, vs_v, lane_iota):
    for off in (1, 2, 4, 8):
        vs_v[...] = v
        ov = plsc.load_gather(vs_v, [lane_iota ^ off])
        v = jnp.maximum(v, ov)
    return v


def _bfly_min_i32(e, es_v, lane_iota):
    for off in (1, 2, 4, 8):
        es_v[...] = e
        oe = plsc.load_gather(es_v, [lane_iota ^ off])
        e = jnp.minimum(e, oe)
    return e


def _row_argmax(buf, vs_v, es_v, lane_iota):
    neg_inf = jnp.full((LANES,), -jnp.inf, dtype=jnp.float32)
    zeros = jnp.zeros((LANES,), jnp.int32)

    def blk_step(b, carry):
        gmax, gblk = carry
        off = b * (BLK * LANES)
        vs = [buf[pl.ds(off + k * LANES, LANES)] for k in range(BLK)]
        while len(vs) > 1:
            vs = [jnp.maximum(vs[2 * i], vs[2 * i + 1])
                  for i in range(len(vs) // 2)]
        m = vs[0]
        pred = m > gmax
        gmax = jnp.where(pred, m, gmax)
        gblk = jnp.where(pred, jnp.full((LANES,), b, jnp.int32), gblk)
        return gmax, gblk

    gmax, gblk = lax.fori_loop(0, NBLK, blk_step, (neg_inf, zeros), unroll=4)

    mvec = _bfly_max(gmax, vs_v, lane_iota)
    cand = jnp.where(gmax == mvec, gblk, BIG)
    bsel = _bfly_min_i32(cand, es_v, lane_iota)
    bsel_s = bsel[0]

    off = bsel_s * (BLK * LANES)
    bp = jnp.full((LANES,), BIG, jnp.int32)
    for k in range(BLK):
        v = buf[pl.ds(off + k * LANES, LANES)]
        hit = v == mvec
        bp = jnp.minimum(bp, jnp.where(hit, jnp.int32(k), BIG))

    e = ((bsel * BLK + bp) * LANES) + lane_iota
    e = jnp.where(bp < BIG, e, INT_MAX)
    return _bfly_min_i32(e, es_v, lane_iota)


def _argmax_body(x_hbm, out_hbm, buf0, buf1, res_v, vs_v, es_v, sem0, sem1):
    c = lax.axis_index("c")
    s = lax.axis_index("s")
    wid = s * 2 + c
    base = wid * RPW

    lane_iota = lax.iota(jnp.int32, LANES)

    def compute(buf, r_local):
        e = _row_argmax(buf, vs_v, es_v, lane_iota)
        goff = (r_local // LANES) * LANES
        cur = res_v[pl.ds(goff, LANES)]
        res_v[pl.ds(goff, LANES)] = jnp.where(
            lane_iota == (r_local - goff), e, cur)

    pltpu.make_async_copy(x_hbm.at[base], buf0, sem0).start()

    def pair(p, _):
        r0 = 2 * p
        pltpu.make_async_copy(x_hbm.at[base + r0 + 1], buf1, sem1).start()
        pltpu.make_async_copy(x_hbm.at[base + r0], buf0, sem0).wait()
        compute(buf0, r0)

        @pl.when(p < RPW // 2 - 1)
        def _():
            pltpu.make_async_copy(x_hbm.at[base + r0 + 2], buf0, sem0).start()

        pltpu.make_async_copy(x_hbm.at[base + r0 + 1], buf1, sem1).wait()
        compute(buf1, r0 + 1)
        return 0

    lax.fori_loop(0, RPW // 2, pair, 0)

    pltpu.sync_copy(res_v, out_hbm.at[pl.ds(wid * SLOT, SLOT)])


def _sc_argmax(x):
    mesh = plsc.VectorSubcoreMesh(core_axis_name="c", subcore_axis_name="s")
    kern = functools.partial(
        pl.kernel,
        mesh=mesh,
        compiler_params=pltpu.CompilerParams(needs_layout_passes=False),
        out_type=jax.ShapeDtypeStruct((NUM_WORKERS * SLOT,), jnp.int32),
        scratch_types=[
            pltpu.VMEM((KV,), jnp.float32),
            pltpu.VMEM((KV,), jnp.float32),
            pltpu.VMEM((SLOT,), jnp.int32),
            pltpu.VMEM((LANES,), jnp.float32),
            pltpu.VMEM((LANES,), jnp.int32),
            pltpu.SemaphoreType.DMA,
            pltpu.SemaphoreType.DMA,
        ],
    )(_argmax_body)
    return kern(x)


def _tc_body(x_ref, o_ref):
    x = x_ref[...]
    m = jnp.max(x, axis=1, keepdims=True)
    idx = lax.broadcasted_iota(jnp.int32, x.shape, 1)
    cand = jnp.where(x == m, idx, INT_MAX)
    o_ref[...] = jnp.min(cand, axis=1, keepdims=True)


def _tc_argmax(x):
    row0 = R_SC // TC_BLK_R
    return pl.pallas_call(
        _tc_body,
        grid=(R_TC // TC_BLK_R,),
        in_specs=[pl.BlockSpec((TC_BLK_R, KV), lambda i: (i + row0, 0))],
        out_specs=pl.BlockSpec((TC_BLK_R, 1), lambda i: (i, 0)),
        out_shape=jax.ShapeDtypeStruct((R_TC, 1), jnp.int32),
    )(x)


@jax.jit
def _argmax_rows(x):
    out_sc = _sc_argmax(x).reshape(NUM_WORKERS, SLOT)[:, :RPW].reshape(-1)
    out_tc = _tc_argmax(x)
    return jnp.concatenate([out_sc, out_tc[:, 0]])


def kernel(xyz):
    x = xyz.reshape(ROWS, KV)
    out = _argmax_rows(x)
    return out.reshape(B, Q)

# --- scband reference (transcript-rebuilt; emitter-appended) ---
"""Pipeline reference for scband-test-net-63986422776224 (READ-ONLY COPY).

The authoritative reference and input builder live on the scoring server;
editing this copy changes nothing except your own understanding.
"""

import jax, jax.numpy as jnp
import numpy as np

def setup_inputs(seed: int = 0) -> dict:
    key = jax.random.key(seed)
    xyz = jax.random.normal(key, (1, 64, 16, 32768), dtype=jnp.float32)
    return {"xyz": xyz}

def reference(xyz):
    # permute(0, 1, 3, 2)
    x = jnp.transpose(xyz, (0, 1, 3, 2))  # [1, B, KV, Q]
    # squeeze(0)
    x = jnp.squeeze(x, axis=0)            # [B, KV, Q]
    # argmax over dim 1 (KV)
    select = jnp.argmax(x, axis=1)        # [B, Q] int
    return select.astype(jnp.int32)

if __name__ == "__main__":
    import jax
    _d = setup_inputs()
    print(jax.jit(kernel)(*tuple(_d.values())))

</pallas_src>

<mosaic_0001>
#map = affine_map<(d0, d1) -> (0, 0)>
#map1 = affine_map<(d0, d1) -> (0)>
module attributes {stable_mosaic.version = 14 : i64} {
  func.func @_argmax_body(%arg0: i32, %arg1: i32, %arg2: memref<1024x32768xf32, #tpu.memory_space<hbm>>, %arg3: memref<512xi32, #tpu.memory_space<hbm>>, %arg4: memref<32768xf32, #tpu.memory_space<vmem>>, %arg5: memref<32768xf32, #tpu.memory_space<vmem>>, %arg6: memref<16xi32, #tpu.memory_space<vmem>>, %arg7: memref<16xf32, #tpu.memory_space<vmem>>, %arg8: memref<16xi32, #tpu.memory_space<vmem>>, %arg9: memref<!tpu.dma_semaphore, #tpu.memory_space<semaphore_mem>>, %arg10: memref<!tpu.dma_semaphore, #tpu.memory_space<semaphore_mem>>) attributes {dimension_semantics = [#tpu.dimension_semantics<core_parallel>, #tpu.dimension_semantics<subcore_parallel>], iteration_bounds = array<i64: 2, 16>, scalar_prefetch = 0 : i64, scratch_operands = 7 : i64, tpu.core_type = #tpu.core_type<sc_vector_subcore>, window_params = [{transform_indices = #map}, {transform_indices = #map1}]} {
    %mul3A = arith.constant 2 : i32
    %mul3A_0 = arith.muli %arg1, %mul3A : i32
    %add3A = arith.addi %mul3A_0, %arg0 : i32
    %mul3A_1 = arith.constant 14 : i32
    %mul3A_2 = arith.muli %add3A, %mul3A_1 : i32
    %iota3A = tpu.iota {dimensions = array<i32: 0>} : vector<16xi32>
    %dma_start3A = arith.constant 0 : i32
    %dma_start3A_3 = tpu.memref_slice %arg2[%mul3A_2, %dma_start3A] : memref<1024x32768xf32, #tpu.memory_space<hbm>> -> memref<1x32768xf32, #tpu.memory_space<hbm>>
    %dma_start3A_4 = tpu.memref_squeeze %dma_start3A_3 : memref<1x32768xf32, #tpu.memory_space<hbm>> -> memref<32768xf32, #tpu.memory_space<hbm>>
    %dma_start3A_5 = arith.constant 0 : i32
    %dma_start3A_6 = tpu.memref_slice %arg2[%mul3A_2, %dma_start3A_5] : memref<1024x32768xf32, #tpu.memory_space<hbm>> -> memref<1x32768xf32, #tpu.memory_space<hbm>>
    %dma_start3A_7 = tpu.memref_squeeze %dma_start3A_6 : memref<1x32768xf32, #tpu.memory_space<hbm>> -> memref<32768xf32, #tpu.memory_space<hbm>>
    tpu.enqueue_dma source(%dma_start3A_7 : memref<32768xf32, #tpu.memory_space<hbm>>) target(%arg4 : memref<32768xf32, #tpu.memory_space<vmem>>) target_semaphore(%arg9 : memref<!tpu.dma_semaphore, #tpu.memory_space<semaphore_mem>>)
    %scan3A = arith.constant 0 : i32
    %scan3A_8 = arith.constant 0 : i32
    %scan3A_9 = arith.constant 7 : i32
    %scan3A_10 = arith.addi %scan3A_8, %scan3A_9 : i32
    %scan3A_11 = arith.constant 1 : i32
    %scan3A_12 = scf.for %scan3A_16 = %scan3A_8 to %scan3A_10 step %scan3A_11 iter_args(%scan3A_17 = %scan3A) -> (i32)  : i32 {
      %mul3A_18 = arith.constant 2 : i32
      %mul3A_19 = arith.muli %mul3A_18, %scan3A_16 : i32
      %add3A_20 = arith.addi %mul3A_2, %mul3A_19 : i32
      %add3A_21 = arith.constant 1 : i32
      %add3A_22 = arith.addi %add3A_20, %add3A_21 : i32
      %dma_start3A_23 = arith.constant 0 : i32
      %dma_start3A_24 = tpu.memref_slice %arg2[%add3A_22, %dma_start3A_23] : memref<1024x32768xf32, #tpu.memory_space<hbm>> -> memref<1x32768xf32, #tpu.memory_space<hbm>>
      %dma_start3A_25 = tpu.memref_squeeze %dma_start3A_24 : memref<1x32768xf32, #tpu.memory_space<hbm>> -> memref<32768xf32, #tpu.memory_space<hbm>>
      %dma_start3A_26 = arith.constant 0 : i32
      %dma_start3A_27 = tpu.memref_slice %arg2[%add3A_22, %dma_start3A_26] : memref<1024x32768xf32, #tpu.memory_space<hbm>> -> memref<1x32768xf32, #tpu.memory_space<hbm>>
      %dma_start3A_28 = tpu.memref_squeeze %dma_start3A_27 : memref<1x32768xf32, #tpu.memory_space<hbm>> -> memref<32768xf32, #tpu.memory_space<hbm>>
      tpu.enqueue_dma source(%dma_start3A_28 : memref<32768xf32, #tpu.memory_space<hbm>>) target(%arg5 : memref<32768xf32, #tpu.memory_space<vmem>>) target_semaphore(%arg10 : memref<!tpu.dma_semaphore, #tpu.memory_space<semaphore_mem>>)
      %add3A_29 = arith.addi %mul3A_2, %mul3A_19 : i32
      %dma_wait3A = arith.constant 0 : i32
      %dma_wait3A_30 = tpu.memref_slice %arg2[%add3A_29, %dma_wait3A] : memref<1024x32768xf32, #tpu.memory_space<hbm>> -> memref<1x32768xf32, #tpu.memory_space<hbm>>
      %dma_wait3A_31 = tpu.memref_squeeze %dma_wait3A_30 : memref<1x32768xf32, #tpu.memory_space<hbm>> -> memref<32768xf32, #tpu.memory_space<hbm>>
      %dma_wait3A_32 = arith.constant 0 : i32
      %dma_wait3A_33 = tpu.memref_slice %arg2[%add3A_29, %dma_wait3A_32] : memref<1024x32768xf32, #tpu.memory_space<hbm>> -> memref<1x32768xf32, #tpu.memory_space<hbm>>
      %dma_wait3A_34 = tpu.memref_squeeze %dma_wait3A_33 : memref<1x32768xf32, #tpu.memory_space<hbm>> -> memref<32768xf32, #tpu.memory_space<hbm>>
      tpu.wait_dma2 semaphore(%arg9 : memref<!tpu.dma_semaphore, #tpu.memory_space<semaphore_mem>>) src(%dma_wait3A_34 : memref<32768xf32, #tpu.memory_space<hbm>>) dst(%arg4 : memref<32768xf32, #tpu.memory_space<vmem>>)
      %broadcast_in_dim3A = arith.constant 0xFF800000 : f32
      %broadcast_in_dim3A_35 = vector.broadcast %broadcast_in_dim3A : f32 to vector<16xf32>
      %broadcast_in_dim3A_36 = arith.constant 0 : i32
      %broadcast_in_dim3A_37 = vector.broadcast %broadcast_in_dim3A_36 : i32 to vector<16xi32>
      %scan3A_38 = arith.constant 0 : i32
      %scan3A_39 = arith.constant 128 : i32
      %scan3A_40 = arith.addi %scan3A_38, %scan3A_39 : i32
      %scan3A_41 = arith.constant 4 : i32
      %scan3A_42:2 = scf.for %scan3A_687 = %scan3A_38 to %scan3A_40 step %scan3A_41 iter_args(%scan3A_688 = %broadcast_in_dim3A_35, %scan3A_689 = %broadcast_in_dim3A_37) -> (vector<16xf32>, vector<16xi32>)  : i32 {
        %mul3A_690 = arith.constant 256 : i32
        %mul3A_691 = arith.muli %scan3A_687, %mul3A_690 : i32
        %add3A_692 = arith.constant 0 : i32
        %add3A_693 = arith.addi %mul3A_691, %add3A_692 : i32
        %get3A_694 = arith.index_cast %add3A_693 : i32 to index
        %get3A_695 = tpu.vector_load %arg4[%get3A_694] {strides = array<i32>} : memref<32768xf32, #tpu.memory_space<vmem>>, vector<16xf32>,
        %add3A_696 = arith.constant 16 : i32
        %add3A_697 = arith.addi %mul3A_691, %add3A_696 : i32
        %get3A_698 = arith.index_cast %add3A_697 : i32 to index
        %get3A_699 = tpu.vector_load %arg4[%get3A_698] {strides = array<i32>} : memref<32768xf32, #tpu.memory_space<vmem>>, vector<16xf32>,
        %add3A_700 = arith.constant 32 : i32
        %add3A_701 = arith.addi %mul3A_691, %add3A_700 : i32
        %get3A_702 = arith.index_cast %add3A_701 : i32 to index
        %get3A_703 = tpu.vector_load %arg4[%get3A_702] {strides = array<i32>} : memref<32768xf32, #tpu.memory_space<vmem>>, vector<16xf32>,
        %add3A_704 = arith.constant 48 : i32
        %add3A_705 = arith.addi %mul3A_691, %add3A_704 : i32
        %get3A_706 = arith.index_cast %add3A_705 : i32 to index
        %get3A_707 = tpu.vector_load %arg4[%get3A_706] {strides = array<i32>} : memref<32768xf32, #tpu.memory_space<vmem>>, vector<16xf32>,
        %add3A_708 = arith.constant 64 : i32
        %add3A_709 = arith.addi %mul3A_691, %add3A_708 : i32
        %get3A_710 = arith.index_cast %add3A_709 : i32 to index
        %get3A_711 = tpu.vector_load %arg4[%get3A_710] {strides = array<i32>} : memref<32768xf32, #tpu.memory_space<vmem>>, vector<16xf32>,
        %add3A_712 = arith.constant 80 : i32
        %add3A_713 = arith.addi %mul3A_691, %add3A_712 : i32
        %get3A_714 = arith.index_cast %add3A_713 : i32 to index
        %get3A_715 = tpu.vector_load %arg4[%get3A_714] {strides = array<i32>} : memref<32768xf32, #tpu.memory_space<vmem>>, vector<16xf32>,
        %add3A_716 = arith.constant 96 : i32
        %add3A_717 = arith.addi %mul3A_691, %add3A_716 : i32
        %get3A_718 = arith.index_cast %add3A_717 : i32 to index
        %get3A_719 = tpu.vector_load %arg4[%get3A_718] {strides = array<i32>} : memref<32768xf32, #tpu.memory_space<vmem>>, vector<16xf32>,
        %add3A_720 = arith.constant 112 : i32
        %add3A_721 = arith.addi %mul3A_691, %add3A_720 : i32
        %get3A_722 = arith.index_cast %add3A_721 : i32 to index
        %get3A_723 = tpu.vector_load %arg4[%get3A_722] {strides = array<i32>} : memref<32768xf32, #tpu.memory_space<vmem>>, vector<16xf32>,
        %add3A_724 = arith.constant 128 : i32
        %add3A_725 = arith.addi %mul3A_691, %add3A_724 : i32
        %get3A_726 = arith.index_cast %add3A_725 : i32 to index
        %get3A_727 = tpu.vector_load %arg4[%get3A_726] {strides = array<i32>} : memref<32768xf32, #tpu.memory_space<vmem>>, vector<16xf32>,
        %add3A_728 = arith.constant 144 : i32
        %add3A_729 = arith.addi %mul3A_691, %add3A_728 : i32
        %get3A_730 = arith.index_cast %add3A_729 : i32 to index
        %get3A_731 = tpu.vector_load %arg4[%get3A_730] {strides = array<i32>} : memref<32768xf32, #tpu.memory_space<vmem>>, vector<16xf32>,
        %add3A_732 = arith.constant 160 : i32
        %add3A_733 = arith.addi %mul3A_691, %add3A_732 : i32
        %get3A_734 = arith.index_cast %add3A_733 : i32 to index
        %get3A_735 = tpu.vector_load %arg4[%get3A_734] {strides = array<i32>} : memref<32768xf32, #tpu.memory_space<vmem>>, vector<16xf32>,
        %add3A_736 = arith.constant 176 : i32
        %add3A_737 = arith.addi %mul3A_691, %add3A_736 : i32
        %get3A_738 = arith.index_cast %add3A_737 : i32 to index
        %get3A_739 = tpu.vector_load %arg4[%get3A_738] {strides = array<i32>} : memref<32768xf32, #tpu.memory_space<vmem>>, vector<16xf32>,
        %add3A_740 = arith.constant 192 : i32
        %add3A_741 = arith.addi %mul3A_691, %add3A_740 : i32
        %get3A_742 = arith.index_cast %add3A_741 : i32 to index
        %get3A_743 = tpu.vector_load %arg4[%get3A_742] {strides = array<i32>} : memref<32768xf32, #tpu.memory_space<vmem>>, vector<16xf32>,
        %add3A_744 = arith.constant 208 : i32
        %add3A_745 = arith.addi %mul3A_691, %add3A_744 : i32
        %get3A_746 = arith.index_cast %add3A_745 : i32 to index
        %get3A_747 = tpu.vector_load %arg4[%get3A_746] {strides = array<i32>} : memref<32768xf32, #tpu.memory_space<vmem>>, vector<16xf32>,
        %add3A_748 = arith.constant 224 : i32
        %add3A_749 = arith.addi %mul3A_691, %add3A_748 : i32
        %get3A_750 = arith.index_cast %add3A_749 : i32 to index
        %get3A_751 = tpu.vector_load %arg4[%get3A_750] {strides = array<i32>} : memref<32768xf32, #tpu.memory_space<vmem>>, vector<16xf32>,
        %add3A_752 = arith.constant 240 : i32
        %add3A_753 = arith.addi %mul3A_691, %add3A_752 : i32
        %get3A_754 = arith.index_cast %add3A_753 : i32 to index
        %get3A_755 = tpu.vector_load %arg4[%get3A_754] {strides = array<i32>} : memref<32768xf32, #tpu.memory_space<vmem>>, vector<16xf32>,
        %max3A_756 = arith.maximumf %get3A_695, %get3A_699 : vector<16xf32>
        %max3A_757 = arith.maximumf %get3A_703, %get3A_707 : vector<16xf32>
        %max3A_758 = arith.maximumf %get3A_711, %get3A_715 : vector<16xf32>
        %max3A_759 = arith.maximumf %get3A_719, %get3A_723 : vector<16xf32>
        %max3A_760 = arith.maximumf %get3A_727, %get3A_731 : vector<16xf32>
        %max3A_761 = arith.maximumf %get3A_735, %get3A_739 : vector<16xf32>
        %max3A_762 = arith.maximumf %get3A_743, %get3A_747 : vector<16xf32>
        %max3A_763 = arith.maximumf %get3A_751, %get3A_755 : vector<16xf32>
        %max3A_764 = arith.maximumf %max3A_756, %max3A_757 : vector<16xf32>
        %max3A_765 = arith.maximumf %max3A_758, %max3A_759 : vector<16xf32>
        %max3A_766 = arith.maximumf %max3A_760, %max3A_761 : vector<16xf32>
        %max3A_767 = arith.maximumf %max3A_762, %max3A_763 : vector<16xf32>
        %max3A_768 = arith.maximumf %max3A_764, %max3A_765 : vector<16xf32>
        %max3A_769 = arith.maximumf %max3A_766, %max3A_767 : vector<16xf32>
        %max3A_770 = arith.maximumf %max3A_768, %max3A_769 : vector<16xf32>
        %gt3A = arith.cmpf ogt, %max3A_770, %scan3A_688 : vector<16xf32>
        %select_n3A_771 = arith.select %gt3A, %max3A_770, %scan3A_688 : vector<16xi1>, vector<16xf32>
        %broadcast_in_dim3A_772 = vector.broadcast %scan3A_687 : i32 to vector<16xi32>
        %select_n3A_773 = arith.select %gt3A, %broadcast_in_dim3A_772, %scan3A_689 : vector<16xi1>, vector<16xi32>
        %scan3A_774 = arith.constant 1 : i32
        %scan3A_775 = arith.addi %scan3A_687, %scan3A_774 : i32
        %mul3A_776 = arith.constant 256 : i32
        %mul3A_777 = arith.muli %scan3A_775, %mul3A_776 : i32
        %add3A_778 = arith.constant 0 : i32
        %add3A_779 = arith.addi %mul3A_777, %add3A_778 : i32
        %get3A_780 = arith.index_cast %add3A_779 : i32 to index
        %get3A_781 = tpu.vector_load %arg4[%get3A_780] {strides = array<i32>} : memref<32768xf32, #tpu.memory_space<vmem>>, vector<16xf32>,
        %add3A_782 = arith.constant 16 : i32
        %add3A_783 = arith.addi %mul3A_777, %add3A_782 : i32
        %get3A_784 = arith.index_cast %add3A_783 : i32 to index
        %get3A_785 = tpu.vector_load %arg4[%get3A_784] {strides = array<i32>} : memref<32768xf32, #tpu.memory_space<vmem>>, vector<16xf32>,
        %add3A_786 = arith.constant 32 : i32
        %add3A_787 = arith.addi %mul3A_777, %add3A_786 : i32
        %get3A_788 = arith.index_cast %add3A_787 : i32 to index
        %get3A_789 = tpu.vector_load %arg4[%get3A_788] {strides = array<i32>} : memref<32768xf32, #tpu.memory_space<vmem>>, vector<16xf32>,
        %add3A_790 = arith.constant 48 : i32
        %add3A_791 = arith.addi %mul3A_777, %add3A_790 : i32
        %get3A_792 = arith.index_cast %add3A_791 : i32 to index
        %get3A_793 = tpu.vector_load %arg4[%get3A_792] {strides = array<i32>} : memref<32768xf32, #tpu.memory_space<vmem>>, vector<16xf32>,
        %add3A_794 = arith.constant 64 : i32
        %add3A_795 = arith.addi %mul3A_777, %add3A_794 : i32
        %get3A_796 = arith.index_cast %add3A_795 : i32 to index
        %get3A_797 = tpu.vector_load %arg4[%get3A_796] {strides = array<i32>} : memref<32768xf32, #tpu.memory_space<vmem>>, vector<16xf32>,
        %add3A_798 = arith.constant 80 : i32
        %add3A_799 = arith.addi %mul3A_777, %add3A_798 : i32
        %get3A_800 = arith.index_cast %add3A_799 : i32 to index
        %get3A_801 = tpu.vector_load %arg4[%get3A_800] {strides = array<i32>} : memref<32768xf32, #tpu.memory_space<vmem>>, vector<16xf32>,
        %add3A_802 = arith.constant 96 : i32
        %add3A_803 = arith.addi %mul3A_777, %add3A_802 : i32
        %get3A_804 = arith.index_cast %add3A_803 : i32 to index
        %get3A_805 = tpu.vector_load %arg4[%get3A_804] {strides = array<i32>} : memref<32768xf32, #tpu.memory_space<vmem>>, vector<16xf32>,
        %add3A_806 = arith.constant 112 : i32
        %add3A_807 = arith.addi %mul3A_777, %add3A_806 : i32
        %get3A_808 = arith.index_cast %add3A_807 : i32 to index
        %get3A_809 = tpu.vector_load %arg4[%get3A_808] {strides = array<i32>} : memref<32768xf32, #tpu.memory_space<vmem>>, vector<16xf32>,
        %add3A_810 = arith.constant 128 : i32
        %add3A_811 = arith.addi %mul3A_777, %add3A_810 : i32
        %get3A_812 = arith.index_cast %add3A_811 : i32 to index
        %get3A_813 = tpu.vector_load %arg4[%get3A_812] {strides = array<i32>} : memref<32768xf32, #tpu.memory_space<vmem>>, vector<16xf32>,
        %add3A_814 = arith.constant 144 : i32
        %add3A_815 = arith.addi %mul3A_777, %add3A_814 : i32
        %get3A_816 = arith.index_cast %add3A_815 : i32 to index
        %get3A_817 = tpu.vector_load %arg4[%get3A_816] {strides = array<i32>} : memref<32768xf32, #tpu.memory_space<vmem>>, vector<16xf32>,
        %add3A_818 = arith.constant 160 : i32
        %add3A_819 = arith.addi %mul3A_777, %add3A_818 : i32
        %get3A_820 = arith.index_cast %add3A_819 : i32 to index
        %get3A_821 = tpu.vector_load %arg4[%get3A_820] {strides = array<i32>} : memref<32768xf32, #tpu.memory_space<vmem>>, vector<16xf32>,
        %add3A_822 = arith.constant 176 : i32
        %add3A_823 = arith.addi %mul3A_777, %add3A_822 : i32
        %get3A_824 = arith.index_cast %add3A_823 : i32 to index
        %get3A_825 = tpu.vector_load %arg4[%get3A_824] {strides = array<i32>} : memref<32768xf32, #tpu.memory_space<vmem>>, vector<16xf32>,
        %add3A_826 = arith.constant 192 : i32
        %add3A_827 = arith.addi %mul3A_777, %add3A_826 : i32
        %get3A_828 = arith.index_cast %add3A_827 : i32 to index
        %get3A_829 = tpu.vector_load %arg4[%get3A_828] {strides = array<i32>} : memref<32768xf32, #tpu.memory_space<vmem>>, vector<16xf32>,
        %add3A_830 = arith.constant 208 : i32
        %add3A_831 = arith.addi %mul3A_777, %add3A_830 : i32
        %get3A_832 = arith.index_cast %add3A_831 : i32 to index
        %get3A_833 = tpu.vector_load %arg4[%get3A_832] {strides = array<i32>} : memref<32768xf32, #tpu.memory_space<vmem>>, vector<16xf32>,
        %add3A_834 = arith.constant 224 : i32
        %add3A_835 = arith.addi %mul3A_777, %add3A_834 : i32
        %get3A_836 = arith.index_cast %add3A_835 : i32 to index
        %get3A_837 = tpu.vector_load %arg4[%get3A_836] {strides = array<i32>} : memref<32768xf32, #tpu.memory_space<vmem>>, vector<16xf32>,
        %add3A_838 = arith.constant 240 : i32
        %add3A_839 = arith.addi %mul3A_777, %add3A_838 : i32
        %get3A_840 = arith.index_cast %add3A_839 : i32 to index
        %get3A_841 = tpu.vector_load %arg4[%get3A_840] {strides = array<i32>} : memref<32768xf32, #tpu.memory_space<vmem>>, vector<16xf32>,
        %max3A_842 = arith.maximumf %get3A_781, %get3A_785 : vector<16xf32>
        %max3A_843 = arith.maximumf %get3A_789, %get3A_793 : vector<16xf32>
        %max3A_844 = arith.maximumf %get3A_797, %get3A_801 : vector<16xf32>
        %max3A_845 = arith.maximumf %get3A_805, %get3A_809 : vector<16xf32>
        %max3A_846 = arith.maximumf %get3A_813, %get3A_817 : vector<16xf32>
        %max3A_847 = arith.maximumf %get3A_821, %get3A_825 : vector<16xf32>
        %max3A_848 = arith.maximumf %get3A_829, %get3A_833 : vector<16xf32>
        %max3A_849 = arith.maximumf %get3A_837, %get3A_841 : vector<16xf32>
        %max3A_850 = arith.maximumf %max3A_842, %max3A_843 : vector<16xf32>
        %max3A_851 = arith.maximumf %max3A_844, %max3A_845 : vector<16xf32>
        %max3A_852 = arith.maximumf %max3A_846, %max3A_847 : vector<16xf32>
        %max3A_853 = arith.maximumf %max3A_848, %max3A_849 : vector<16xf32>
        %max3A_854 = arith.maximumf %max3A_850, %max3A_851 : vector<16xf32>
        %max3A_855 = arith.maximumf %max3A_852, %max3A_853 : vector<16xf32>
        %max3A_856 = arith.maximumf %max3A_854, %max3A_855 : vector<16xf32>
        %gt3A_857 = arith.cmpf ogt, %max3A_856, %select_n3A_771 : vector<16xf32>
        %select_n3A_858 = arith.select %gt3A_857, %max3A_856, %select_n3A_771 : vector<16xi1>, vector<16xf32>
        %broadcast_in_dim3A_859 = vector.broadcast %scan3A_775 : i32 to vector<16xi32>
        %select_n3A_860 = arith.select %gt3A_857, %broadcast_in_dim3A_859, %select_n3A_773 : vector<16xi1>, vector<16xi32>
        %scan3A_861 = arith.constant 2 : i32
        %scan3A_862 = arith.addi %scan3A_687, %scan3A_861 : i32
        %mul3A_863 = arith.constant 256 : i32
        %mul3A_864 = arith.muli %scan3A_862, %mul3A_863 : i32
        %add3A_865 = arith.constant 0 : i32
        %add3A_866 = arith.addi %mul3A_864, %add3A_865 : i32
        %get3A_867 = arith.index_cast %add3A_866 : i32 to index
        %get3A_868 = tpu.vector_load %arg4[%get3A_867] {strides = array<i32>} : memref<32768xf32, #tpu.memory_space<vmem>>, vector<16xf32>,
        %add3A_869 = arith.constant 16 : i32
        %add3A_870 = arith.addi %mul3A_864, %add3A_869 : i32
        %get3A_871 = arith.index_cast %add3A_870 : i32 to index
        %get3A_872 = tpu.vector_load %arg4[%get3A_871] {strides = array<i32>} : memref<32768xf32, #tpu.memory_space<vmem>>, vector<16xf32>,
        %add3A_873 = arith.constant 32 : i32
        %add3A_874 = arith.addi %mul3A_864, %add3A_873 : i32
        %get3A_875 = arith.index_cast %add3A_874 : i32 to index
        %get3A_876 = tpu.vector_load %arg4[%get3A_875] {strides = array<i32>} : memref<32768xf32, #tpu.memory_space<vmem>>, vector<16xf32>,
        %add3A_877 = arith.constant 48 : i32
        %add3A_878 = arith.addi %mul3A_864, %add3A_877 : i32
        %get3A_879 = arith.index_cast %add3A_878 : i32 to index
        %get3A_880 = tpu.vector_load %arg4[%get3A_879] {strides = array<i32>} : memref<32768xf32, #tpu.memory_space<vmem>>, vector<16xf32>,
        %add3A_881 = arith.constant 64 : i32
        %add3A_882 = arith.addi %mul3A_864, %add3A_881 : i32
        %get3A_883 = arith.index_cast %add3A_882 : i32 to index
        %get3A_884 = tpu.vector_load %arg4[%get3A_883] {strides = array<i32>} : memref<32768xf32, #tpu.memory_space<vmem>>, vector<16xf32>,
        %add3A_885 = arith.constant 80 : i32
        %add3A_886 = arith.addi %mul3A_864, %add3A_885 : i32
        %get3A_887 = arith.index_cast %add3A_886 : i32 to index
        %get3A_888 = tpu.vector_load %arg4[%get3A_887] {strides = array<i32>} : memref<32768xf32, #tpu.memory_space<vmem>>, vector<16xf32>,
        %add3A_889 = arith.constant 96 : i32
        %add3A_890 = arith.addi %mul3A_864, %add3A_889 : i32
        %get3A_891 = arith.index_cast %add3A_890 : i32 to index
        %get3A_892 = tpu.vector_load %arg4[%get3A_891] {strides = array<i32>} : memref<32768xf32, #tpu.memory_space<vmem>>, vector<16xf32>,
        %add3A_893 = arith.constant 112 : i32
        %add3A_894 = arith.addi %mul3A_864, %add3A_893 : i32
        %get3A_895 = arith.index_cast %add3A_894 : i32 to index
        %get3A_896 = tpu.vector_load %arg4[%get3A_895] {strides = array<i32>} : memref<32768xf32, #tpu.memory_space<vmem>>, vector<16xf32>,
        %add3A_897 = arith.constant 128 : i32
        %add3A_898 = arith.addi %mul3A_864, %add3A_897 : i32
        %get3A_899 = arith.index_cast %add3A_898 : i32 to index
        %get3A_900 = tpu.vector_load %arg4[%get3A_899] {strides = array<i32>} : memref<32768xf32, #tpu.memory_space<vmem>>, vector<16xf32>,
        %add3A_901 = arith.constant 144 : i32
        %add3A_902 = arith.addi %mul3A_864, %add3A_901 : i32
        %get3A_903 = arith.index_cast %add3A_902 : i32 to index
        %get3A_904 = tpu.vector_load %arg4[%get3A_903] {strides = array<i32>} : memref<32768xf32, #tpu.memory_space<vmem>>, vector<16xf32>,
        %add3A_905 = arith.constant 160 : i32
        %add3A_906 = arith.addi %mul3A_864, %add3A_905 : i32
        %get3A_907 = arith.index_cast %add3A_906 : i32 to index
        %get3A_908 = tpu.vector_load %arg4[%get3A_907] {strides = array<i32>} : memref<32768xf32, #tpu.memory_space<vmem>>, vector<16xf32>,
        %add3A_909 = arith.constant 176 : i32
        %add3A_910 = arith.addi %mul3A_864, %add3A_909 : i32
        %get3A_911 = arith.index_cast %add3A_910 : i32 to index
        %get3A_912 = tpu.vector_load %arg4[%get3A_911] {strides = array<i32>} : memref<32768xf32, #tpu.memory_space<vmem>>, vector<16xf32>,
        %add3A_913 = arith.constant 192 : i32
        %add3A_914 = arith.addi %mul3A_864, %add3A_913 : i32
        %get3A_915 = arith.index_cast %add3A_914 : i32 to index
        %get3A_916 = tpu.vector_load %arg4[%get3A_915] {strides = array<i32>} : memref<32768xf32, #tpu.memory_space<vmem>>, vector<16xf32>,
        %add3A_917 = arith.constant 208 : i32
        %add3A_918 = arith.addi %mul3A_864, %add3A_917 : i32
        %get3A_919 = arith.index_cast %add3A_918 : i32 to index
        %get3A_920 = tpu.vector_load %arg4[%get3A_919] {strides = array<i32>} : memref<32768xf32, #tpu.memory_space<vmem>>, vector<16xf32>,
        %add3A_921 = arith.constant 224 : i32
        %add3A_922 = arith.addi %mul3A_864, %add3A_921 : i32
        %get3A_923 = arith.index_cast %add3A_922 : i32 to index
        %get3A_924 = tpu.vector_load %arg4[%get3A_923] {strides = array<i32>} : memref<32768xf32, #tpu.memory_space<vmem>>, vector<16xf32>,
        %add3A_925 = arith.constant 240 : i32
        %add3A_926 = arith.addi %mul3A_864, %add3A_925 : i32
        %get3A_927 = arith.index_cast %add3A_926 : i32 to index
        %get3A_928 = tpu.vector_load %arg4[%get3A_927] {strides = array<i32>} : memref<32768xf32, #tpu.memory_space<vmem>>, vector<16xf32>,
        %max3A_929 = arith.maximumf %get3A_868, %get3A_872 : vector<16xf32>
        %max3A_930 = arith.maximumf %get3A_876, %get3A_880 : vector<16xf32>
        %max3A_931 = arith.maximumf %get3A_884, %get3A_888 : vector<16xf32>
        %max3A_932 = arith.maximumf %get3A_892, %get3A_896 : vector<16xf32>
        %max3A_933 = arith.maximumf %get3A_900, %get3A_904 : vector<16xf32>
        %max3A_934 = arith.maximumf %get3A_908, %get3A_912 : vector<16xf32>
        %max3A_935 = arith.maximumf %get3A_916, %get3A_920 : vector<16xf32>
        %max3A_936 = arith.maximumf %get3A_924, %get3A_928 : vector<16xf32>
        %max3A_937 = arith.maximumf %max3A_929, %max3A_930 : vector<16xf32>
        %max3A_938 = arith.maximumf %max3A_931, %max3A_932 : vector<16xf32>
        %max3A_939 = arith.maximumf %max3A_933, %max3A_934 : vector<16xf32>
        %max3A_940 = arith.maximumf %max3A_935, %max3A_936 : vector<16xf32>
        %max3A_941 = arith.maximumf %max3A_937, %max3A_938 : vector<16xf32>
        %max3A_942 = arith.maximumf %max3A_939, %max3A_940 : vector<16xf32>
        %max3A_943 = arith.maximumf %max3A_941, %max3A_942 : vector<16xf32>
        %gt3A_944 = arith.cmpf ogt, %max3A_943, %select_n3A_858 : vector<16xf32>
        %select_n3A_945 = arith.select %gt3A_944, %max3A_943, %select_n3A_858 : vector<16xi1>, vector<16xf32>
        %broadcast_in_dim3A_946 = vector.broadcast %scan3A_862 : i32 to vector<16xi32>
        %select_n3A_947 = arith.select %gt3A_944, %broadcast_in_dim3A_946, %select_n3A_860 : vector<16xi1>, vector<16xi32>
        %scan3A_948 = arith.constant 3 : i32
        %scan3A_949 = arith.addi %scan3A_687, %scan3A_948 : i32
        %mul3A_950 = arith.constant 256 : i32
        %mul3A_951 = arith.muli %scan3A_949, %mul3A_950 : i32
        %add3A_952 = arith.constant 0 : i32
        %add3A_953 = arith.addi %mul3A_951, %add3A_952 : i32
        %get3A_954 = arith.index_cast %add3A_953 : i32 to index
        %get3A_955 = tpu.vector_load %arg4[%get3A_954] {strides = array<i32>} : memref<32768xf32, #tpu.memory_space<vmem>>, vector<16xf32>,
        %add3A_956 = arith.constant 16 : i32
        %add3A_957 = arith.addi %mul3A_951, %add3A_956 : i32
        %get3A_958 = arith.index_cast %add3A_957 : i32 to index
        %get3A_959 = tpu.vector_load %arg4[%get3A_958] {strides = array<i32>} : memref<32768xf32, #tpu.memory_space<vmem>>, vector<16xf32>,
        %add3A_960 = arith.constant 32 : i32
        %add3A_961 = arith.addi %mul3A_951, %add3A_960 : i32
        %get3A_962 = arith.index_cast %add3A_961 : i32 to index
        %get3A_963 = tpu.vector_load %arg4[%get3A_962] {strides = array<i32>} : memref<32768xf32, #tpu.memory_space<vmem>>, vector<16xf32>,
        %add3A_964 = arith.constant 48 : i32
        %add3A_965 = arith.addi %mul3A_951, %add3A_964 : i32
        %get3A_966 = arith.index_cast %add3A_965 : i32 to index
        %get3A_967 = tpu.vector_load %arg4[%get3A_966] {strides = array<i32>} : memref<32768xf32, #tpu.memory_space<vmem>>, vector<16xf32>,
        %add3A_968 = arith.constant 64 : i32
        %add3A_969 = arith.addi %mul3A_951, %add3A_968 : i32
        %get3A_970 = arith.index_cast %add3A_969 : i32 to index
        %get3A_971 = tpu.vector_load %arg4[%get3A_970] {strides = array<i32>} : memref<32768xf32, #tpu.memory_space<vmem>>, vector<16xf32>,
        %add3A_972 = arith.constant 80 : i32
        %add3A_973 = arith.addi %mul3A_951, %add3A_972 : i32
        %get3A_974 = arith.index_cast %add3A_973 : i32 to index
        %get3A_975 = tpu.vector_load %arg4[%get3A_974] {strides = array<i32>} : memref<32768xf32, #tpu.memory_space<vmem>>, vector<16xf32>,
        %add3A_976 = arith.constant 96 : i32
        %add3A_977 = arith.addi %mul3A_951, %add3A_976 : i32
        %get3A_978 = arith.index_cast %add3A_977 : i32 to index
        %get3A_979 = tpu.vector_load %arg4[%get3A_978] {strides = array<i32>} : memref<32768xf32, #tpu.memory_space<vmem>>, vector<16xf32>,
        %add3A_980 = arith.constant 112 : i32
        %add3A_981 = arith.addi %mul3A_951, %add3A_980 : i32
        %get3A_982 = arith.index_cast %add3A_981 : i32 to index
        %get3A_983 = tpu.vector_load %arg4[%get3A_982] {strides = array<i32>} : memref<32768xf32, #tpu.memory_space<vmem>>, vector<16xf32>,
        %add3A_984 = arith.constant 128 : i32
        %add3A_985 = arith.addi %mul3A_951, %add3A_984 : i32
        %get3A_986 = arith.index_cast %add3A_985 : i32 to index
        %get3A_987 = tpu.vector_load %arg4[%get3A_986] {strides = array<i32>} : memref<32768xf32, #tpu.memory_space<vmem>>, vector<16xf32>,
        %add3A_988 = arith.constant 144 : i32
        %add3A_989 = arith.addi %mul3A_951, %add3A_988 : i32
        %get3A_990 = arith.index_cast %add3A_989 : i32 to index
        %get3A_991 = tpu.vector_load %arg4[%get3A_990] {strides = array<i32>} : memref<32768xf32, #tpu.memory_space<vmem>>, vector<16xf32>,
        %add3A_992 = arith.constant 160 : i32
        %add3A_993 = arith.addi %mul3A_951, %add3A_992 : i32
        %get3A_994 = arith.index_cast %add3A_993 : i32 to index
        %get3A_995 = tpu.vector_load %arg4[%get3A_994] {strides = array<i32>} : memref<32768xf32, #tpu.memory_space<vmem>>, vector<16xf32>,
        %add3A_996 = arith.constant 176 : i32
        %add3A_997 = arith.addi %mul3A_951, %add3A_996 : i32
        %get3A_998 = arith.index_cast %add3A_997 : i32 to index
        %get3A_999 = tpu.vector_load %arg4[%get3A_998] {strides = array<i32>} : memref<32768xf32, #tpu.memory_space<vmem>>, vector<16xf32>,
        %add3A_1000 = arith.constant 192 : i32
        %add3A_1001 = arith.addi %mul3A_951, %add3A_1000 : i32
        %get3A_1002 = arith.index_cast %add3A_1001 : i32 to index
        %get3A_1003 = tpu.vector_load %arg4[%get3A_1002] {strides = array<i32>} : memref<32768xf32, #tpu.memory_space<vmem>>, vector<16xf32>,
        %add3A_1004 = arith.constant 208 : i32
        %add3A_1005 = arith.addi %mul3A_951, %add3A_1004 : i32
        %get3A_1006 = arith.index_cast %add3A_1005 : i32 to index
        %get3A_1007 = tpu.vector_load %arg4[%get3A_1006] {strides = array<i32>} : memref<32768xf32, #tpu.memory_space<vmem>>, vector<16xf32>,
        %add3A_1008 = arith.constant 224 : i32
        %add3A_1009 = arith.addi %mul3A_951, %add3A_1008 : i32
        %get3A_1010 = arith.index_cast %add3A_1009 : i32 to index
        %get3A_1011 = tpu.vector_load %arg4[%get3A_1010] {strides = array<i32>} : memref<32768xf32, #tpu.memory_space<vmem>>, vector<16xf32>,
        %add3A_1012 = arith.constant 240 : i32
        %add3A_1013 = arith.addi %mul3A_951, %add3A_1012 : i32
        %get3A_1014 = arith.index_cast %add3A_1013 : i32 to index
        %get3A_1015 = tpu.vector_load %arg4[%get3A_1014] {strides = array<i32>} : memref<32768xf32, #tpu.memory_space<vmem>>, vector<16xf32>,
        %max3A_1016 = arith.maximumf %get3A_955, %get3A_959 : vector<16xf32>
        %max3A_1017 = arith.maximumf %get3A_963, %get3A_967 : vector<16xf32>
        %max3A_1018 = arith.maximumf %get3A_971, %get3A_975 : vector<16xf32>
        %max3A_1019 = arith.maximumf %get3A_979, %get3A_983 : vector<16xf32>
        %max3A_1020 = arith.maximumf %get3A_987, %get3A_991 : vector<16xf32>
        %max3A_1021 = arith.maximumf %get3A_995, %get3A_999 : vector<16xf32>
        %max3A_1022 = arith.maximumf %get3A_1003, %get3A_1007 : vector<16xf32>
        %max3A_1023 = arith.maximumf %get3A_1011, %get3A_1015 : vector<16xf32>
        %max3A_1024 = arith.maximumf %max3A_1016, %max3A_1017 : vector<16xf32>
        %max3A_1025 = arith.maximumf %max3A_1018, %max3A_1019 : vector<16xf32>
        %max3A_1026 = arith.maximumf %max3A_1020, %max3A_1021 : vector<16xf32>
        %max3A_1027 = arith.maximumf %max3A_1022, %max3A_1023 : vector<16xf32>
        %max3A_1028 = arith.maximumf %max3A_1024, %max3A_1025 : vector<16xf32>
        %max3A_1029 = arith.maximumf %max3A_1026, %max3A_1027 : vector<16xf32>
        %max3A_1030 = arith.maximumf %max3A_1028, %max3A_1029 : vector<16xf32>
        %gt3A_1031 = arith.cmpf ogt, %max3A_1030, %select_n3A_945 : vector<16xf32>
        %select_n3A_1032 = arith.select %gt3A_1031, %max3A_1030, %select_n3A_945 : vector<16xi1>, vector<16xf32>
        %broadcast_in_dim3A_1033 = vector.broadcast %scan3A_949 : i32 to vector<16xi32>
        %select_n3A_1034 = arith.select %gt3A_1031, %broadcast_in_dim3A_1033, %select_n3A_947 : vector<16xi1>, vector<16xi32>
        scf.yield %select_n3A_1032, %select_n3A_1034 : vector<16xf32>, vector<16xi32>
      }
      %scan3A_43 = arith.constant 128 : i32
      %swap3A = arith.constant 0 : index
      %swap3A_44 = tpu.vector_load %arg7[%swap3A] {strides = array<i32>} : memref<16xf32, #tpu.memory_space<vmem>>, vector<16xf32>,
      tpu.vector_store %arg7[%swap3A], %scan3A_42#0 {strides = array<i32>} : memref<16xf32, #tpu.memory_space<vmem>>, vector<16xf32>,
      %xor3A = arith.constant 1 : i32
      %xor3A_45 = vector.broadcast %xor3A : i32 to vector<16xi32>
      %xor3A_46 = arith.xori %iota3A, %xor3A_45 : vector<16xi32>
      %gather3A = tpu.vector_load_idx %arg7[%xor3A_46] : memref<16xf32, #tpu.memory_space<vmem>>[vector<16xi32>], vector<16xf32>,
      %max3A = arith.maximumf %scan3A_42#0, %gather3A : vector<16xf32>
      %swap3A_47 = arith.constant 0 : index
      %swap3A_48 = tpu.vector_load %arg7[%swap3A_47] {strides = array<i32>} : memref<16xf32, #tpu.memory_space<vmem>>, vector<16xf32>,
      tpu.vector_store %arg7[%swap3A_47], %max3A {strides = array<i32>} : memref<16xf32, #tpu.memory_space<vmem>>, vector<16xf32>,
      %xor3A_49 = arith.constant 2 : i32
      %xor3A_50 = vector.broadcast %xor3A_49 : i32 to vector<16xi32>
      %xor3A_51 = arith.xori %iota3A, %xor3A_50 : vector<16xi32>
      %gather3A_52 = tpu.vector_load_idx %arg7[%xor3A_51] : memref<16xf32, #tpu.memory_space<vmem>>[vector<16xi32>], vector<16xf32>,
      %max3A_53 = arith.maximumf %max3A, %gather3A_52 : vector<16xf32>
      %swap3A_54 = arith.constant 0 : index
      %swap3A_55 = tpu.vector_load %arg7[%swap3A_54] {strides = array<i32>} : memref<16xf32, #tpu.memory_space<vmem>>, vector<16xf32>,
      tpu.vector_store %arg7[%swap3A_54], %max3A_53 {strides = array<i32>} : memref<16xf32, #tpu.memory_space<vmem>>, vector<16xf32>,
      %xor3A_56 = arith.constant 4 : i32
      %xor3A_57 = vector.broadcast %xor3A_56 : i32 to vector<16xi32>
      %xor3A_58 = arith.xori %iota3A, %xor3A_57 : vector<16xi32>
      %gather3A_59 = tpu.vector_load_idx %arg7[%xor3A_58] : memref<16xf32, #tpu.memory_space<vmem>>[vector<16xi32>], vector<16xf32>,
      %max3A_60 = arith.maximumf %max3A_53, %gather3A_59 : vector<16xf32>
      %swap3A_61 = arith.constant 0 : index
      %swap3A_62 = tpu.vector_load %arg7[%swap3A_61] {strides = array<i32>} : memref<16xf32, #tpu.memory_space<vmem>>, vector<16xf32>,
      tpu.vector_store %arg7[%swap3A_61], %max3A_60 {strides = array<i32>} : memref<16xf32, #tpu.memory_space<vmem>>, vector<16xf32>,
      %xor3A_63 = arith.constant 8 : i32
      %xor3A_64 = vector.broadcast %xor3A_63 : i32 to vector<16xi32>
      %xor3A_65 = arith.xori %iota3A, %xor3A_64 : vector<16xi32>
      %gather3A_66 = tpu.vector_load_idx %arg7[%xor3A_65] : memref<16xf32, #tpu.memory_space<vmem>>[vector<16xi32>], vector<16xf32>,
      %max3A_67 = arith.maximumf %max3A_60, %gather3A_66 : vector<16xf32>
      %eq3A = arith.cmpf oeq, %scan3A_42#0, %max3A_67 : vector<16xf32>
      %jit3A = arith.constant 1048576 : i32
      %broadcast_in_dim3A_68 = vector.broadcast %jit3A : i32 to vector<16xi32>
      %select_n3A = arith.select %eq3A, %scan3A_42#1, %broadcast_in_dim3A_68 : vector<16xi1>, vector<16xi32>
      %swap3A_69 = arith.constant 0 : index
      %swap3A_70 = tpu.vector_load %arg8[%swap3A_69] {strides = array<i32>} : memref<16xi32, #tpu.memory_space<vmem>>, vector<16xi32>,
      tpu.vector_store %arg8[%swap3A_69], %select_n3A {strides = array<i32>} : memref<16xi32, #tpu.memory_space<vmem>>, vector<16xi32>,
      %xor3A_71 = arith.constant 1 : i32
      %xor3A_72 = vector.broadcast %xor3A_71 : i32 to vector<16xi32>
      %xor3A_73 = arith.xori %iota3A, %xor3A_72 : vector<16xi32>
      %gather3A_74 = tpu.vector_load_idx %arg8[%xor3A_73] : memref<16xi32, #tpu.memory_space<vmem>>[vector<16xi32>], vector<16xi32>,
      %min3A = arith.minsi %select_n3A, %gather3A_74 : vector<16xi32>
      %swap3A_75 = arith.constant 0 : index
      %swap3A_76 = tpu.vector_load %arg8[%swap3A_75] {strides = array<i32>} : memref<16xi32, #tpu.memory_space<vmem>>, vector<16xi32>,
      tpu.vector_store %arg8[%swap3A_75], %min3A {strides = array<i32>} : memref<16xi32, #tpu.memory_space<vmem>>, vector<16xi32>,
      %xor3A_77 = arith.constant 2 : i32
      %xor3A_78 = vector.broadcast %xor3A_77 : i32 to vector<16xi32>
      %xor3A_79 = arith.xori %iota3A, %xor3A_78 : vector<16xi32>
      %gather3A_80 = tpu.vector_load_idx %arg8[%xor3A_79] : memref<16xi32, #tpu.memory_space<vmem>>[vector<16xi32>], vector<16xi32>,
      %min3A_81 = arith.minsi %min3A, %gather3A_80 : vector<16xi32>
      %swap3A_82 = arith.constant 0 : index
      %swap3A_83 = tpu.vector_load %arg8[%swap3A_82] {strides = array<i32>} : memref<16xi32, #tpu.memory_space<vmem>>, vector<16xi32>,
      tpu.vector_store %arg8[%swap3A_82], %min3A_81 {strides = array<i32>} : memref<16xi32, #tpu.memory_space<vmem>>, vector<16xi32>,
      %xor3A_84 = arith.constant 4 : i32
      %xor3A_85 = vector.broadcast %xor3A_84 : i32 to vector<16xi32>
      %xor3A_86 = arith.xori %iota3A, %xor3A_85 : vector<16xi32>
      %gather3A_87 = tpu.vector_load_idx %arg8[%xor3A_86] : memref<16xi32, #tpu.memory_space<vmem>>[vector<16xi32>], vector<16xi32>,
      %min3A_88 = arith.minsi %min3A_81, %gather3A_87 : vector<16xi32>
      %swap3A_89 = arith.constant 0 : index
      %swap3A_90 = tpu.vector_load %arg8[%swap3A_89] {strides = array<i32>} : memref<16xi32, #tpu.memory_space<vmem>>, vector<16xi32>,
      tpu.vector_store %arg8[%swap3A_89], %min3A_88 {strides = array<i32>} : memref<16xi32, #tpu.memory_space<vmem>>, vector<16xi32>,
      %xor3A_91 = arith.constant 8 : i32
      %xor3A_92 = vector.broadcast %xor3A_91 : i32 to vector<16xi32>
      %xor3A_93 = arith.xori %iota3A, %xor3A_92 : vector<16xi32>
      %gather3A_94 = tpu.vector_load_idx %arg8[%xor3A_93] : memref<16xi32, #tpu.memory_space<vmem>>[vector<16xi32>], vector<16xi32>,
      %min3A_95 = arith.minsi %min3A_88, %gather3A_94 : vector<16xi32>
      %slice3A = vector.extract_strided_slice %min3A_95 {offsets = [0], sizes = [1], strides = [1]} : vector<16xi32> to vector<1xi32>
      %squeeze3A = vector.extract %slice3A[0] : i32 from vector<1xi32>
      %mul3A_96 = arith.constant 256 : i32
      %mul3A_97 = arith.muli %squeeze3A, %mul3A_96 : i32
      %broadcast_in_dim3A_98 = arith.constant 1048576 : i32
      %broadcast_in_dim3A_99 = vector.broadcast %broadcast_in_dim3A_98 : i32 to vector<16xi32>
      %add3A_100 = arith.constant 0 : i32
      %add3A_101 = arith.addi %mul3A_97, %add3A_100 : i32
      %get3A = arith.index_cast %add3A_101 : i32 to index
      %get3A_102 = tpu.vector_load %arg4[%get3A] {strides = array<i32>} : memref<32768xf32, #tpu.memory_space<vmem>>, vector<16xf32>,
      %eq3A_103 = arith.cmpf oeq, %get3A_102, %max3A_67 : vector<16xf32>
      %jit3A_104 = arith.constant 0 : i32
      %jit3A_105 = arith.constant 1048576 : i32
      %broadcast_in_dim3A_106 = vector.broadcast %jit3A_104 : i32 to vector<16xi32>
      %broadcast_in_dim3A_107 = vector.broadcast %jit3A_105 : i32 to vector<16xi32>
      %select_n3A_108 = arith.select %eq3A_103, %broadcast_in_dim3A_106, %broadcast_in_dim3A_107 : vector<16xi1>, vector<16xi32>
      %min3A_109 = arith.minsi %broadcast_in_dim3A_99, %select_n3A_108 : vector<16xi32>
      %add3A_110 = arith.constant 16 : i32
      %add3A_111 = arith.addi %mul3A_97, %add3A_110 : i32
      %get3A_112 = arith.index_cast %add3A_111 : i32 to index
      %get3A_113 = tpu.vector_load %arg4[%get3A_112] {strides = array<i32>} : memref<32768xf32, #tpu.memory_space<vmem>>, vector<16xf32>,
      %eq3A_114 = arith.cmpf oeq, %get3A_113, %max3A_67 : vector<16xf32>
      %jit3A_115 = arith.constant 1 : i32
      %jit3A_116 = arith.constant 1048576 : i32
      %broadcast_in_dim3A_117 = vector.broadcast %jit3A_115 : i32 to vector<16xi32>
      %broadcast_in_dim3A_118 = vector.broadcast %jit3A_116 : i32 to vector<16xi32>
      %select_n3A_119 = arith.select %eq3A_114, %broadcast_in_dim3A_117, %broadcast_in_dim3A_118 : vector<16xi1>, vector<16xi32>
      %min3A_120 = arith.minsi %min3A_109, %select_n3A_119 : vector<16xi32>
      %add3A_121 = arith.constant 32 : i32
      %add3A_122 = arith.addi %mul3A_97, %add3A_121 : i32
      %get3A_123 = arith.index_cast %add3A_122 : i32 to index
      %get3A_124 = tpu.vector_load %arg4[%get3A_123] {strides = array<i32>} : memref<32768xf32, #tpu.memory_space<vmem>>, vector<16xf32>,
      %eq3A_125 = arith.cmpf oeq, %get3A_124, %max3A_67 : vector<16xf32>
      %jit3A_126 = arith.constant 2 : i32
      %jit3A_127 = arith.constant 1048576 : i32
      %broadcast_in_dim3A_128 = vector.broadcast %jit3A_126 : i32 to vector<16xi32>
      %broadcast_in_dim3A_129 = vector.broadcast %jit3A_127 : i32 to vector<16xi32>
      %select_n3A_130 = arith.select %eq3A_125, %broadcast_in_dim3A_128, %broadcast_in_dim3A_129 : vector<16xi1>, vector<16xi32>
      %min3A_131 = arith.minsi %min3A_120, %select_n3A_130 : vector<16xi32>
      %add3A_132 = arith.constant 48 : i32
      %add3A_133 = arith.addi %mul3A_97, %add3A_132 : i32
      %get3A_134 = arith.index_cast %add3A_133 : i32 to index
      %get3A_135 = tpu.vector_load %arg4[%get3A_134] {strides = array<i32>} : memref<32768xf32, #tpu.memory_space<vmem>>, vector<16xf32>,
      %eq3A_136 = arith.cmpf oeq, %get3A_135, %max3A_67 : vector<16xf32>
      %jit3A_137 = arith.constant 3 : i32
      %jit3A_138 = arith.constant 1048576 : i32
      %broadcast_in_dim3A_139 = vector.broadcast %jit3A_137 : i32 to vector<16xi32>
      %broadcast_in_dim3A_140 = vector.broadcast %jit3A_138 : i32 to vector<16xi32>
      %select_n3A_141 = arith.select %eq3A_136, %broadcast_in_dim3A_139, %broadcast_in_dim3A_140 : vector<16xi1>, vector<16xi32>
      %min3A_142 = arith.minsi %min3A_131, %select_n3A_141 : vector<16xi32>
      %add3A_143 = arith.constant 64 : i32
      %add3A_144 = arith.addi %mul3A_97, %add3A_143 : i32
      %get3A_145 = arith.index_cast %add3A_144 : i32 to index
      %get3A_146 = tpu.vector_load %arg4[%get3A_145] {strides = array<i32>} : memref<32768xf32, #tpu.memory_space<vmem>>, vector<16xf32>,
      %eq3A_147 = arith.cmpf oeq, %get3A_146, %max3A_67 : vector<16xf32>
      %jit3A_148 = arith.constant 4 : i32
      %jit3A_149 = arith.constant 1048576 : i32
      %broadcast_in_dim3A_150 = vector.broadcast %jit3A_148 : i32 to vector<16xi32>
      %broadcast_in_dim3A_151 = vector.broadcast %jit3A_149 : i32 to vector<16xi32>
      %select_n3A_152 = arith.select %eq3A_147, %broadcast_in_dim3A_150, %broadcast_in_dim3A_151 : vector<16xi1>, vector<16xi32>
      %min3A_153 = arith.minsi %min3A_142, %select_n3A_152 : vector<16xi32>
      %add3A_154 = arith.constant 80 : i32
      %add3A_155 = arith.addi %mul3A_97, %add3A_154 : i32
      %get3A_156 = arith.index_cast %add3A_155 : i32 to index
      %get3A_157 = tpu.vector_load %arg4[%get3A_156] {strides = array<i32>} : memref<32768xf32, #tpu.memory_space<vmem>>, vector<16xf32>,
      %eq3A_158 = arith.cmpf oeq, %get3A_157, %max3A_67 : vector<16xf32>
      %jit3A_159 = arith.constant 5 : i32
      %jit3A_160 = arith.constant 1048576 : i32
      %broadcast_in_dim3A_161 = vector.broadcast %jit3A_159 : i32 to vector<16xi32>
      %broadcast_in_dim3A_162 = vector.broadcast %jit3A_160 : i32 to vector<16xi32>
      %select_n3A_163 = arith.select %eq3A_158, %broadcast_in_dim3A_161, %broadcast_in_dim3A_162 : vector<16xi1>, vector<16xi32>
      %min3A_164 = arith.minsi %min3A_153, %select_n3A_163 : vector<16xi32>
      %add3A_165 = arith.constant 96 : i32
      %add3A_166 = arith.addi %mul3A_97, %add3A_165 : i32
      %get3A_167 = arith.index_cast %add3A_166 : i32 to index
      %get3A_168 = tpu.vector_load %arg4[%get3A_167] {strides = array<i32>} : memref<32768xf32, #tpu.memory_space<vmem>>, vector<16xf32>,
      %eq3A_169 = arith.cmpf oeq, %get3A_168, %max3A_67 : vector<16xf32>
      %jit3A_170 = arith.constant 6 : i32
      %jit3A_171 = arith.constant 1048576 : i32
      %broadcast_in_dim3A_172 = vector.broadcast %jit3A_170 : i32 to vector<16xi32>
      %broadcast_in_dim3A_173 = vector.broadcast %jit3A_171 : i32 to vector<16xi32>
      %select_n3A_174 = arith.select %eq3A_169, %broadcast_in_dim3A_172, %broadcast_in_dim3A_173 : vector<16xi1>, vector<16xi32>
      %min3A_175 = arith.minsi %min3A_164, %select_n3A_174 : vector<16xi32>
      %add3A_176 = arith.constant 112 : i32
      %add3A_177 = arith.addi %mul3A_97, %add3A_176 : i32
      %get3A_178 = arith.index_cast %add3A_177 : i32 to index
      %get3A_179 = tpu.vector_load %arg4[%get3A_178] {strides = array<i32>} : memref<32768xf32, #tpu.memory_space<vmem>>, vector<16xf32>,
      %eq3A_180 = arith.cmpf oeq, %get3A_179, %max3A_67 : vector<16xf32>
      %jit3A_181 = arith.constant 7 : i32
      %jit3A_182 = arith.constant 1048576 : i32
      %broadcast_in_dim3A_183 = vector.broadcast %jit3A_181 : i32 to vector<16xi32>
      %broadcast_in_dim3A_184 = vector.broadcast %jit3A_182 : i32 to vector<16xi32>
      %select_n3A_185 = arith.select %eq3A_180, %broadcast_in_dim3A_183, %broadcast_in_dim3A_184 : vector<16xi1>, vector<16xi32>
      %min3A_186 = arith.minsi %min3A_175, %select_n3A_185 : vector<16xi32>
      %add3A_187 = arith.constant 128 : i32
      %add3A_188 = arith.addi %mul3A_97, %add3A_187 : i32
      %get3A_189 = arith.index_cast %add3A_188 : i32 to index
      %get3A_190 = tpu.vector_load %arg4[%get3A_189] {strides = array<i32>} : memref<32768xf32, #tpu.memory_space<vmem>>, vector<16xf32>,
      %eq3A_191 = arith.cmpf oeq, %get3A_190, %max3A_67 : vector<16xf32>
      %jit3A_192 = arith.constant 8 : i32
      %jit3A_193 = arith.constant 1048576 : i32
      %broadcast_in_dim3A_194 = vector.broadcast %jit3A_192 : i32 to vector<16xi32>
      %broadcast_in_dim3A_195 = vector.broadcast %jit3A_193 : i32 to vector<16xi32>
      %select_n3A_196 = arith.select %eq3A_191, %broadcast_in_dim3A_194, %broadcast_in_dim3A_195 : vector<16xi1>, vector<16xi32>
      %min3A_197 = arith.minsi %min3A_186, %select_n3A_196 : vector<16xi32>
      %add3A_198 = arith.constant 144 : i32
      %add3A_199 = arith.addi %mul3A_97, %add3A_198 : i32
      %get3A_200 = arith.index_cast %add3A_199 : i32 to index
      %get3A_201 = tpu.vector_load %arg4[%get3A_200] {strides = array<i32>} : memref<32768xf32, #tpu.memory_space<vmem>>, vector<16xf32>,
      %eq3A_202 = arith.cmpf oeq, %get3A_201, %max3A_67 : vector<16xf32>
      %jit3A_203 = arith.constant 9 : i32
      %jit3A_204 = arith.constant 1048576 : i32
      %broadcast_in_dim3A_205 = vector.broadcast %jit3A_203 : i32 to vector<16xi32>
      %broadcast_in_dim3A_206 = vector.broadcast %jit3A_204 : i32 to vector<16xi32>
      %select_n3A_207 = arith.select %eq3A_202, %broadcast_in_dim3A_205, %broadcast_in_dim3A_206 : vector<16xi1>, vector<16xi32>
      %min3A_208 = arith.minsi %min3A_197, %select_n3A_207 : vector<16xi32>
      %add3A_209 = arith.constant 160 : i32
      %add3A_210 = arith.addi %mul3A_97, %add3A_209 : i32
      %get3A_211 = arith.index_cast %add3A_210 : i32 to index
      %get3A_212 = tpu.vector_load %arg4[%get3A_211] {strides = array<i32>} : memref<32768xf32, #tpu.memory_space<vmem>>, vector<16xf32>,
      %eq3A_213 = arith.cmpf oeq, %get3A_212, %max3A_67 : vector<16xf32>
      %jit3A_214 = arith.constant 10 : i32
      %jit3A_215 = arith.constant 1048576 : i32
      %broadcast_in_dim3A_216 = vector.broadcast %jit3A_214 : i32 to vector<16xi32>
      %broadcast_in_dim3A_217 = vector.broadcast %jit3A_215 : i32 to vector<16xi32>
      %select_n3A_218 = arith.select %eq3A_213, %broadcast_in_dim3A_216, %broadcast_in_dim3A_217 : vector<16xi1>, vector<16xi32>
      %min3A_219 = arith.minsi %min3A_208, %select_n3A_218 : vector<16xi32>
      %add3A_220 = arith.constant 176 : i32
      %add3A_221 = arith.addi %mul3A_97, %add3A_220 : i32
      %get3A_222 = arith.index_cast %add3A_221 : i32 to index
      %get3A_223 = tpu.vector_load %arg4[%get3A_222] {strides = array<i32>} : memref<32768xf32, #tpu.memory_space<vmem>>, vector<16xf32>,
      %eq3A_224 = arith.cmpf oeq, %get3A_223, %max3A_67 : vector<16xf32>
      %jit3A_225 = arith.constant 11 : i32
      %jit3A_226 = arith.constant 1048576 : i32
      %broadcast_in_dim3A_227 = vector.broadcast %jit3A_225 : i32 to vector<16xi32>
      %broadcast_in_dim3A_228 = vector.broadcast %jit3A_226 : i32 to vector<16xi32>
      %select_n3A_229 = arith.select %eq3A_224, %broadcast_in_dim3A_227, %broadcast_in_dim3A_228 : vector<16xi1>, vector<16xi32>
      %min3A_230 = arith.minsi %min3A_219, %select_n3A_229 : vector<16xi32>
      %add3A_231 = arith.constant 192 : i32
      %add3A_232 = arith.addi %mul3A_97, %add3A_231 : i32
      %get3A_233 = arith.index_cast %add3A_232 : i32 to index
      %get3A_234 = tpu.vector_load %arg4[%get3A_233] {strides = array<i32>} : memref<32768xf32, #tpu.memory_space<vmem>>, vector<16xf32>,
      %eq3A_235 = arith.cmpf oeq, %get3A_234, %max3A_67 : vector<16xf32>
      %jit3A_236 = arith.constant 12 : i32
      %jit3A_237 = arith.constant 1048576 : i32
      %broadcast_in_dim3A_238 = vector.broadcast %jit3A_236 : i32 to vector<16xi32>
      %broadcast_in_dim3A_239 = vector.broadcast %jit3A_237 : i32 to vector<16xi32>
      %select_n3A_240 = arith.select %eq3A_235, %broadcast_in_dim3A_238, %broadcast_in_dim3A_239 : vector<16xi1>, vector<16xi32>
      %min3A_241 = arith.minsi %min3A_230, %select_n3A_240 : vector<16xi32>
      %add3A_242 = arith.constant 208 : i32
      %add3A_243 = arith.addi %mul3A_97, %add3A_242 : i32
      %get3A_244 = arith.index_cast %add3A_243 : i32 to index
      %get3A_245 = tpu.vector_load %arg4[%get3A_244] {strides = array<i32>} : memref<32768xf32, #tpu.memory_space<vmem>>, vector<16xf32>,
      %eq3A_246 = arith.cmpf oeq, %get3A_245, %max3A_67 : vector<16xf32>
      %jit3A_247 = arith.constant 13 : i32
      %jit3A_248 = arith.constant 1048576 : i32
      %broadcast_in_dim3A_249 = vector.broadcast %jit3A_247 : i32 to vector<16xi32>
      %broadcast_in_dim3A_250 = vector.broadcast %jit3A_248 : i32 to vector<16xi32>
      %select_n3A_251 = arith.select %eq3A_246, %broadcast_in_dim3A_249, %broadcast_in_dim3A_250 : vector<16xi1>, vector<16xi32>
      %min3A_252 = arith.minsi %min3A_241, %select_n3A_251 : vector<16xi32>
      %add3A_253 = arith.constant 224 : i32
      %add3A_254 = arith.addi %mul3A_97, %add3A_253 : i32
      %get3A_255 = arith.index_cast %add3A_254 : i32 to index
      %get3A_256 = tpu.vector_load %arg4[%get3A_255] {strides = array<i32>} : memref<32768xf32, #tpu.memory_space<vmem>>, vector<16xf32>,
      %eq3A_257 = arith.cmpf oeq, %get3A_256, %max3A_67 : vector<16xf32>
      %jit3A_258 = arith.constant 14 : i32
      %jit3A_259 = arith.constant 1048576 : i32
      %broadcast_in_dim3A_260 = vector.broadcast %jit3A_258 : i32 to vector<16xi32>
      %broadcast_in_dim3A_261 = vector.broadcast %jit3A_259 : i32 to vector<16xi32>
      %select_n3A_262 = arith.select %eq3A_257, %broadcast_in_dim3A_260, %broadcast_in_dim3A_261 : vector<16xi1>, vector<16xi32>
      %min3A_263 = arith.minsi %min3A_252, %select_n3A_262 : vector<16xi32>
      %add3A_264 = arith.constant 240 : i32
      %add3A_265 = arith.addi %mul3A_97, %add3A_264 : i32
      %get3A_266 = arith.index_cast %add3A_265 : i32 to index
      %get3A_267 = tpu.vector_load %arg4[%get3A_266] {strides = array<i32>} : memref<32768xf32, #tpu.memory_space<vmem>>, vector<16xf32>,
      %eq3A_268 = arith.cmpf oeq, %get3A_267, %max3A_67 : vector<16xf32>
      %jit3A_269 = arith.constant 15 : i32
      %jit3A_270 = arith.constant 1048576 : i32
      %broadcast_in_dim3A_271 = vector.broadcast %jit3A_269 : i32 to vector<16xi32>
      %broadcast_in_dim3A_272 = vector.broadcast %jit3A_270 : i32 to vector<16xi32>
      %select_n3A_273 = arith.select %eq3A_268, %broadcast_in_dim3A_271, %broadcast_in_dim3A_272 : vector<16xi1>, vector<16xi32>
      %min3A_274 = arith.minsi %min3A_263, %select_n3A_273 : vector<16xi32>
      %mul3A_275 = arith.constant 16 : i32
      %mul3A_276 = vector.broadcast %mul3A_275 : i32 to vector<16xi32>
      %mul3A_277 = arith.muli %min3A_95, %mul3A_276 : vector<16xi32>
      %add3A_278 = arith.addi %mul3A_277, %min3A_274 : vector<16xi32>
      %mul3A_279 = arith.constant 16 : i32
      %mul3A_280 = vector.broadcast %mul3A_279 : i32 to vector<16xi32>
      %mul3A_281 = arith.muli %add3A_278, %mul3A_280 : vector<16xi32>
      %add3A_282 = arith.addi %mul3A_281, %iota3A : vector<16xi32>
      %lt3A = arith.constant 1048576 : i32
      %lt3A_283 = vector.broadcast %lt3A : i32 to vector<16xi32>
      %lt3A_284 = arith.cmpi slt, %min3A_274, %lt3A_283 : vector<16xi32>
      %jit3A_285 = arith.constant 2147483647 : i32
      %broadcast_in_dim3A_286 = vector.broadcast %jit3A_285 : i32 to vector<16xi32>
      %select_n3A_287 = arith.select %lt3A_284, %add3A_282, %broadcast_in_dim3A_286 : vector<16xi1>, vector<16xi32>
      %swap3A_288 = arith.constant 0 : index
      %swap3A_289 = tpu.vector_load %arg8[%swap3A_288] {strides = array<i32>} : memref<16xi32, #tpu.memory_space<vmem>>, vector<16xi32>,
      tpu.vector_store %arg8[%swap3A_288], %select_n3A_287 {strides = array<i32>} : memref<16xi32, #tpu.memory_space<vmem>>, vector<16xi32>,
      %xor3A_290 = arith.constant 1 : i32
      %xor3A_291 = vector.broadcast %xor3A_290 : i32 to vector<16xi32>
      %xor3A_292 = arith.xori %iota3A, %xor3A_291 : vector<16xi32>
      %gather3A_293 = tpu.vector_load_idx %arg8[%xor3A_292] : memref<16xi32, #tpu.memory_space<vmem>>[vector<16xi32>], vector<16xi32>,
      %min3A_294 = arith.minsi %select_n3A_287, %gather3A_293 : vector<16xi32>
      %swap3A_295 = arith.constant 0 : index
      %swap3A_296 = tpu.vector_load %arg8[%swap3A_295] {strides = array<i32>} : memref<16xi32, #tpu.memory_space<vmem>>, vector<16xi32>,
      tpu.vector_store %arg8[%swap3A_295], %min3A_294 {strides = array<i32>} : memref<16xi32, #tpu.memory_space<vmem>>, vector<16xi32>,
      %xor3A_297 = arith.constant 2 : i32
      %xor3A_298 = vector.broadcast %xor3A_297 : i32 to vector<16xi32>
      %xor3A_299 = arith.xori %iota3A, %xor3A_298 : vector<16xi32>
      %gather3A_300 = tpu.vector_load_idx %arg8[%xor3A_299] : memref<16xi32, #tpu.memory_space<vmem>>[vector<16xi32>], vector<16xi32>,
      %min3A_301 = arith.minsi %min3A_294, %gather3A_300 : vector<16xi32>
      %swap3A_302 = arith.constant 0 : index
      %swap3A_303 = tpu.vector_load %arg8[%swap3A_302] {strides = array<i32>} : memref<16xi32, #tpu.memory_space<vmem>>, vector<16xi32>,
      tpu.vector_store %arg8[%swap3A_302], %min3A_301 {strides = array<i32>} : memref<16xi32, #tpu.memory_space<vmem>>, vector<16xi32>,
      %xor3A_304 = arith.constant 4 : i32
      %xor3A_305 = vector.broadcast %xor3A_304 : i32 to vector<16xi32>
      %xor3A_306 = arith.xori %iota3A, %xor3A_305 : vector<16xi32>
      %gather3A_307 = tpu.vector_load_idx %arg8[%xor3A_306] : memref<16xi32, #tpu.memory_space<vmem>>[vector<16xi32>], vector<16xi32>,
      %min3A_308 = arith.minsi %min3A_301, %gather3A_307 : vector<16xi32>
      %swap3A_309 = arith.constant 0 : index
      %swap3A_310 = tpu.vector_load %arg8[%swap3A_309] {strides = array<i32>} : memref<16xi32, #tpu.memory_space<vmem>>, vector<16xi32>,
      tpu.vector_store %arg8[%swap3A_309], %min3A_308 {strides = array<i32>} : memref<16xi32, #tpu.memory_space<vmem>>, vector<16xi32>,
      %xor3A_311 = arith.constant 8 : i32
      %xor3A_312 = vector.broadcast %xor3A_311 : i32 to vector<16xi32>
      %xor3A_313 = arith.xori %iota3A, %xor3A_312 : vector<16xi32>
      %gather3A_314 = tpu.vector_load_idx %arg8[%xor3A_313] : memref<16xi32, #tpu.memory_space<vmem>>[vector<16xi32>], vector<16xi32>,
      %min3A_315 = arith.minsi %min3A_308, %gather3A_314 : vector<16xi32>
      %jit3A_316 = arith.constant 16 : i32
      %div3A = arith.divsi %mul3A_19, %jit3A_316 : i32
      %sign3A = arith.constant 0 : i32
      %sign3A_317 = arith.cmpi sgt, %mul3A_19, %sign3A : i32
      %sign3A_318 = arith.extui %sign3A_317 : i1 to i32
      %sign3A_319 = arith.constant 0 : i32
      %sign3A_320 = arith.cmpi slt, %mul3A_19, %sign3A_319 : i32
      %sign3A_321 = arith.extui %sign3A_320 : i1 to i32
      %sign3A_322 = arith.subi %sign3A_318, %sign3A_321 : i32
      %sign3A_323 = arith.constant 0 : i32
      %sign3A_324 = arith.cmpi sgt, %jit3A_316, %sign3A_323 : i32
      %sign3A_325 = arith.extui %sign3A_324 : i1 to i32
      %sign3A_326 = arith.constant 0 : i32
      %sign3A_327 = arith.cmpi slt, %jit3A_316, %sign3A_326 : i32
      %sign3A_328 = arith.extui %sign3A_327 : i1 to i32
      %sign3A_329 = arith.subi %sign3A_325, %sign3A_328 : i32
      %ne3A = arith.cmpi ne, %sign3A_322, %sign3A_329 : i32
      %rem3A = arith.remsi %mul3A_19, %jit3A_316 : i32
      %ne3A_330 = arith.constant 0 : i32
      %ne3A_331 = arith.cmpi ne, %rem3A, %ne3A_330 : i32
      %and3A = arith.andi %ne3A, %ne3A_331 : i1
      %sub3A = arith.constant 1 : i32
      %sub3A_332 = arith.subi %div3A, %sub3A : i32
      %select_n3A_333 = arith.select %and3A, %sub3A_332, %div3A : i32
      %mul3A_334 = arith.constant 16 : i32
      %mul3A_335 = arith.muli %select_n3A_333, %mul3A_334 : i32
      %get3A_336 = arith.index_cast %mul3A_335 : i32 to index
      %get3A_337 = tpu.vector_load %arg6[%get3A_336] {strides = array<i32>} : memref<16xi32, #tpu.memory_space<vmem>>, vector<16xi32>,
      %sub3A_338 = arith.subi %mul3A_19, %mul3A_335 : i32
      %eq3A_339 = vector.broadcast %sub3A_338 : i32 to vector<16xi32>
      %eq3A_340 = arith.cmpi eq, %iota3A, %eq3A_339 : vector<16xi32>
      %select_n3A_341 = arith.select %eq3A_340, %min3A_315, %get3A_337 : vector<16xi1>, vector<16xi32>
      %swap3A_342 = arith.index_cast %mul3A_335 : i32 to index
      %swap3A_343 = tpu.vector_load %arg6[%swap3A_342] {strides = array<i32>} : memref<16xi32, #tpu.memory_space<vmem>>, vector<16xi32>,
      tpu.vector_store %arg6[%swap3A_342], %select_n3A_341 {strides = array<i32>} : memref<16xi32, #tpu.memory_space<vmem>>, vector<16xi32>,
      %lt3A_344 = arith.constant 6 : i32
      %lt3A_345 = arith.cmpi slt, %scan3A_16, %lt3A_344 : i32
      %convert_element_type3A = arith.extui %lt3A_345 : i1 to i32
      %cond3A = arith.constant 0 : i32
      %cond3A_346 = arith.cmpi ne, %convert_element_type3A, %cond3A : i32
      scf.if %cond3A_346 {
        %add3A_687 = arith.addi %mul3A_2, %mul3A_19 : i32
        %add3A_688 = arith.constant 2 : i32
        %add3A_689 = arith.addi %add3A_687, %add3A_688 : i32
        %dma_start3A_690 = arith.constant 0 : i32
        %dma_start3A_691 = tpu.memref_slice %arg2[%add3A_689, %dma_start3A_690] : memref<1024x32768xf32, #tpu.memory_space<hbm>> -> memref<1x32768xf32, #tpu.memory_space<hbm>>
        %dma_start3A_692 = tpu.memref_squeeze %dma_start3A_691 : memref<1x32768xf32, #tpu.memory_space<hbm>> -> memref<32768xf32, #tpu.memory_space<hbm>>
        %dma_start3A_693 = arith.constant 0 : i32
        %dma_start3A_694 = tpu.memref_slice %arg2[%add3A_689, %dma_start3A_693] : memref<1024x32768xf32, #tpu.memory_space<hbm>> -> memref<1x32768xf32, #tpu.memory_space<hbm>>
        %dma_start3A_695 = tpu.memref_squeeze %dma_start3A_694 : memref<1x32768xf32, #tpu.memory_space<hbm>> -> memref<32768xf32, #tpu.memory_space<hbm>>
        tpu.enqueue_dma source(%dma_start3A_695 : memref<32768xf32, #tpu.memory_space<hbm>>) target(%arg4 : memref<32768xf32, #tpu.memory_space<vmem>>) target_semaphore(%arg9 : memref<!tpu.dma_semaphore, #tpu.memory_space<semaphore_mem>>)
      } else {
      }
      %add3A_347 = arith.addi %mul3A_2, %mul3A_19 : i32
      %add3A_348 = arith.constant 1 : i32
      %add3A_349 = arith.addi %add3A_347, %add3A_348 : i32
      %dma_wait3A_350 = arith.constant 0 : i32
      %dma_wait3A_351 = tpu.memref_slice %arg2[%add3A_349, %dma_wait3A_350] : memref<1024x32768xf32, #tpu.memory_space<hbm>> -> memref<1x32768xf32, #tpu.memory_space<hbm>>
      %dma_wait3A_352 = tpu.memref_squeeze %dma_wait3A_351 : memref<1x32768xf32, #tpu.memory_space<hbm>> -> memref<32768xf32, #tpu.memory_space<hbm>>
      %dma_wait3A_353 = arith.constant 0 : i32
      %dma_wait3A_354 = tpu.memref_slice %arg2[%add3A_349, %dma_wait3A_353] : memref<1024x32768xf32, #tpu.memory_space<hbm>> -> memref<1x32768xf32, #tpu.memory_space<hbm>>
      %dma_wait3A_355 = tpu.memref_squeeze %dma_wait3A_354 : memref<1x32768xf32, #tpu.memory_space<hbm>> -> memref<32768xf32, #tpu.memory_space<hbm>>
      tpu.wait_dma2 semaphore(%arg10 : memref<!tpu.dma_semaphore, #tpu.memory_space<semaphore_mem>>) src(%dma_wait3A_355 : memref<32768xf32, #tpu.memory_space<hbm>>) dst(%arg5 : memref<32768xf32, #tpu.memory_space<vmem>>)
      %add3A_356 = arith.constant 1 : i32
      %add3A_357 = arith.addi %mul3A_19, %add3A_356 : i32
      %broadcast_in_dim3A_358 = arith.constant 0xFF800000 : f32
      %broadcast_in_dim3A_359 = vector.broadcast %broadcast_in_dim3A_358 : f32 to vector<16xf32>
      %broadcast_in_dim3A_360 = arith.constant 0 : i32
      %broadcast_in_dim3A_361 = vector.broadcast %broadcast_in_dim3A_360 : i32 to vector<16xi32>
      %scan3A_362 = arith.constant 0 : i32
      %scan3A_363 = arith.constant 128 : i32
      %scan3A_364 = arith.addi %scan3A_362, %scan3A_363 : i32
      %scan3A_365 = arith.constant 4 : i32
      %scan3A_366:2 = scf.for %scan3A_687 = %scan3A_362 to %scan3A_364 step %scan3A_365 iter_args(%scan3A_688 = %broadcast_in_dim3A_359, %scan3A_689 = %broadcast_in_dim3A_361) -> (vector<16xf32>, vector<16xi32>)  : i32 {
        %mul3A_690 = arith.constant 256 : i32
        %mul3A_691 = arith.muli %scan3A_687, %mul3A_690 : i32
        %add3A_692 = arith.constant 0 : i32
        %add3A_693 = arith.addi %mul3A_691, %add3A_692 : i32
        %get3A_694 = arith.index_cast %add3A_693 : i32 to index
        %get3A_695 = tpu.vector_load %arg5[%get3A_694] {strides = array<i32>} : memref<32768xf32, #tpu.memory_space<vmem>>, vector<16xf32>,
        %add3A_696 = arith.constant 16 : i32
        %add3A_697 = arith.addi %mul3A_691, %add3A_696 : i32
        %get3A_698 = arith.index_cast %add3A_697 : i32 to index
        %get3A_699 = tpu.vector_load %arg5[%get3A_698] {strides = array<i32>} : memref<32768xf32, #tpu.memory_space<vmem>>, vector<16xf32>,
        %add3A_700 = arith.constant 32 : i32
        %add3A_701 = arith.addi %mul3A_691, %add3A_700 : i32
        %get3A_702 = arith.index_cast %add3A_701 : i32 to index
        %get3A_703 = tpu.vector_load %arg5[%get3A_702] {strides = array<i32>} : memref<32768xf32, #tpu.memory_space<vmem>>, vector<16xf32>,
        %add3A_704 = arith.constant 48 : i32
        %add3A_705 = arith.addi %mul3A_691, %add3A_704 : i32
        %get3A_706 = arith.index_cast %add3A_705 : i32 to index
        %get3A_707 = tpu.vector_load %arg5[%get3A_706] {strides = array<i32>} : memref<32768xf32, #tpu.memory_space<vmem>>, vector<16xf32>,
        %add3A_708 = arith.constant 64 : i32
        %add3A_709 = arith.addi %mul3A_691, %add3A_708 : i32
        %get3A_710 = arith.index_cast %add3A_709 : i32 to index
        %get3A_711 = tpu.vector_load %arg5[%get3A_710] {strides = array<i32>} : memref<32768xf32, #tpu.memory_space<vmem>>, vector<16xf32>,
        %add3A_712 = arith.constant 80 : i32
        %add3A_713 = arith.addi %mul3A_691, %add3A_712 : i32
        %get3A_714 = arith.index_cast %add3A_713 : i32 to index
        %get3A_715 = tpu.vector_load %arg5[%get3A_714] {strides = array<i32>} : memref<32768xf32, #tpu.memory_space<vmem>>, vector<16xf32>,
        %add3A_716 = arith.constant 96 : i32
        %add3A_717 = arith.addi %mul3A_691, %add3A_716 : i32
        %get3A_718 = arith.index_cast %add3A_717 : i32 to index
        %get3A_719 = tpu.vector_load %arg5[%get3A_718] {strides = array<i32>} : memref<32768xf32, #tpu.memory_space<vmem>>, vector<16xf32>,
        %add3A_720 = arith.constant 112 : i32
        %add3A_721 = arith.addi %mul3A_691, %add3A_720 : i32
        %get3A_722 = arith.index_cast %add3A_721 : i32 to index
        %get3A_723 = tpu.vector_load %arg5[%get3A_722] {strides = array<i32>} : memref<32768xf32, #tpu.memory_space<vmem>>, vector<16xf32>,
        %add3A_724 = arith.constant 128 : i32
        %add3A_725 = arith.addi %mul3A_691, %add3A_724 : i32
        %get3A_726 = arith.index_cast %add3A_725 : i32 to index
        %get3A_727 = tpu.vector_load %arg5[%get3A_726] {strides = array<i32>} : memref<32768xf32, #tpu.memory_space<vmem>>, vector<16xf32>,
        %add3A_728 = arith.constant 144 : i32
        %add3A_729 = arith.addi %mul3A_691, %add3A_728 : i32
        %get3A_730 = arith.index_cast %add3A_729 : i32 to index
        %get3A_731 = tpu.vector_load %arg5[%get3A_730] {strides = array<i32>} : memref<32768xf32, #tpu.memory_space<vmem>>, vector<16xf32>,
        %add3A_732 = arith.constant 160 : i32
        %add3A_733 = arith.addi %mul3A_691, %add3A_732 : i32
        %get3A_734 = arith.index_cast %add3A_733 : i32 to index
        %get3A_735 = tpu.vector_load %arg5[%get3A_734] {strides = array<i32>} : memref<32768xf32, #tpu.memory_space<vmem>>, vector<16xf32>,
        %add3A_736 = arith.constant 176 : i32
        %add3A_737 = arith.addi %mul3A_691, %add3A_736 : i32
        %get3A_738 = arith.index_cast %add3A_737 : i32 to index
        %get3A_739 = tpu.vector_load %arg5[%get3A_738] {strides = array<i32>} : memref<32768xf32, #tpu.memory_space<vmem>>, vector<16xf32>,
        %add3A_740 = arith.constant 192 : i32
        %add3A_741 = arith.addi %mul3A_691, %add3A_740 : i32
        %get3A_742 = arith.index_cast %add3A_741 : i32 to index
        %get3A_743 = tpu.vector_load %arg5[%get3A_742] {strides = array<i32>} : memref<32768xf32, #tpu.memory_space<vmem>>, vector<16xf32>,
        %add3A_744 = arith.constant 208 : i32
        %add3A_745 = arith.addi %mul3A_691, %add3A_744 : i32
        %get3A_746 = arith.index_cast %add3A_745 : i32 to index
        %get3A_747 = tpu.vector_load %arg5[%get3A_746] {strides = array<i32>} : memref<32768xf32, #tpu.memory_space<vmem>>, vector<16xf32>,
        %add3A_748 = arith.constant 224 : i32
        %add3A_749 = arith.addi %mul3A_691, %add3A_748 : i32
        %get3A_750 = arith.index_cast %add3A_749 : i32 to index
        %get3A_751 = tpu.vector_load %arg5[%get3A_750] {strides = array<i32>} : memref<32768xf32, #tpu.memory_space<vmem>>, vector<16xf32>,
        %add3A_752 = arith.constant 240 : i32
        %add3A_753 = arith.addi %mul3A_691, %add3A_752 : i32
        %get3A_754 = arith.index_cast %add3A_753 : i32 to index
        %get3A_755 = tpu.vector_load %arg5[%get3A_754] {strides = array<i32>} : memref<32768xf32, #tpu.memory_space<vmem>>, vector<16xf32>,
        %max3A_756 = arith.maximumf %get3A_695, %get3A_699 : vector<16xf32>
        %max3A_757 = arith.maximumf %get3A_703, %get3A_707 : vector<16xf32>
        %max3A_758 = arith.maximumf %get3A_711, %get3A_715 : vector<16xf32>
        %max3A_759 = arith.maximumf %get3A_719, %get3A_723 : vector<16xf32>
        %max3A_760 = arith.maximumf %get3A_727, %get3A_731 : vector<16xf32>
        %max3A_761 = arith.maximumf %get3A_735, %get3A_739 : vector<16xf32>
        %max3A_762 = arith.maximumf %get3A_743, %get3A_747 : vector<16xf32>
        %max3A_763 = arith.maximumf %get3A_751, %get3A_755 : vector<16xf32>
        %max3A_764 = arith.maximumf %max3A_756, %max3A_757 : vector<16xf32>
        %max3A_765 = arith.maximumf %max3A_758, %max3A_759 : vector<16xf32>
        %max3A_766 = arith.maximumf %max3A_760, %max3A_761 : vector<16xf32>
        %max3A_767 = arith.maximumf %max3A_762, %max3A_763 : vector<16xf32>
        %max3A_768 = arith.maximumf %max3A_764, %max3A_765 : vector<16xf32>
        %max3A_769 = arith.maximumf %max3A_766, %max3A_767 : vector<16xf32>
        %max3A_770 = arith.maximumf %max3A_768, %max3A_769 : vector<16xf32>
        %gt3A = arith.cmpf ogt, %max3A_770, %scan3A_688 : vector<16xf32>
        %select_n3A_771 = arith.select %gt3A, %max3A_770, %scan3A_688 : vector<16xi1>, vector<16xf32>
        %broadcast_in_dim3A_772 = vector.broadcast %scan3A_687 : i32 to vector<16xi32>
        %select_n3A_773 = arith.select %gt3A, %broadcast_in_dim3A_772, %scan3A_689 : vector<16xi1>, vector<16xi32>
        %scan3A_774 = arith.constant 1 : i32
        %scan3A_775 = arith.addi %scan3A_687, %scan3A_774 : i32
        %mul3A_776 = arith.constant 256 : i32
        %mul3A_777 = arith.muli %scan3A_775, %mul3A_776 : i32
        %add3A_778 = arith.constant 0 : i32
        %add3A_779 = arith.addi %mul3A_777, %add3A_778 : i32
        %get3A_780 = arith.index_cast %add3A_779 : i32 to index
        %get3A_781 = tpu.vector_load %arg5[%get3A_780] {strides = array<i32>} : memref<32768xf32, #tpu.memory_space<vmem>>, vector<16xf32>,
        %add3A_782 = arith.constant 16 : i32
        %add3A_783 = arith.addi %mul3A_777, %add3A_782 : i32
        %get3A_784 = arith.index_cast %add3A_783 : i32 to index
        %get3A_785 = tpu.vector_load %arg5[%get3A_784] {strides = array<i32>} : memref<32768xf32, #tpu.memory_space<vmem>>, vector<16xf32>,
        %add3A_786 = arith.constant 32 : i32
        %add3A_787 = arith.addi %mul3A_777, %add3A_786 : i32
        %get3A_788 = arith.index_cast %add3A_787 : i32 to index
        %get3A_789 = tpu.vector_load %arg5[%get3A_788] {strides = array<i32>} : memref<32768xf32, #tpu.memory_space<vmem>>, vector<16xf32>,
        %add3A_790 = arith.constant 48 : i32
        %add3A_791 = arith.addi %mul3A_777, %add3A_790 : i32
        %get3A_792 = arith.index_cast %add3A_791 : i32 to index
        %get3A_793 = tpu.vector_load %arg5[%get3A_792] {strides = array<i32>} : memref<32768xf32, #tpu.memory_space<vmem>>, vector<16xf32>,
        %add3A_794 = arith.constant 64 : i32
        %add3A_795 = arith.addi %mul3A_777, %add3A_794 : i32
        %get3A_796 = arith.index_cast %add3A_795 : i32 to index
        %get3A_797 = tpu.vector_load %arg5[%get3A_796] {strides = array<i32>} : memref<32768xf32, #tpu.memory_space<vmem>>, vector<16xf32>,
        %add3A_798 = arith.constant 80 : i32
        %add3A_799 = arith.addi %mul3A_777, %add3A_798 : i32
        %get3A_800 = arith.index_cast %add3A_799 : i32 to index
        %get3A_801 = tpu.vector_load %arg5[%get3A_800] {strides = array<i32>} : memref<32768xf32, #tpu.memory_space<vmem>>, vector<16xf32>,
        %add3A_802 = arith.constant 96 : i32
        %add3A_803 = arith.addi %mul3A_777, %add3A_802 : i32
        %get3A_804 = arith.index_cast %add3A_803 : i32 to index
        %get3A_805 = tpu.vector_load %arg5[%get3A_804] {strides = array<i32>} : memref<32768xf32, #tpu.memory_space<vmem>>, vector<16xf32>,
        %add3A_806 = arith.constant 112 : i32
        %add3A_807 = arith.addi %mul3A_777, %add3A_806 : i32
        %get3A_808 = arith.index_cast %add3A_807 : i32 to index
        %get3A_809 = tpu.vector_load %arg5[%get3A_808] {strides = array<i32>} : memref<32768xf32, #tpu.memory_space<vmem>>, vector<16xf32>,
        %add3A_810 = arith.constant 128 : i32
        %add3A_811 = arith.addi %mul3A_777, %add3A_810 : i32
        %get3A_812 = arith.index_cast %add3A_811 : i32 to index
        %get3A_813 = tpu.vector_load %arg5[%get3A_812] {strides = array<i32>} : memref<32768xf32, #tpu.memory_space<vmem>>, vector<16xf32>,
        %add3A_814 = arith.constant 144 : i32
        %add3A_815 = arith.addi %mul3A_777, %add3A_814 : i32
        %get3A_816 = arith.index_cast %add3A_815 : i32 to index
        %get3A_817 = tpu.vector_load %arg5[%get3A_816] {strides = array<i32>} : memref<32768xf32, #tpu.memory_space<vmem>>, vector<16xf32>,
        %add3A_818 = arith.constant 160 : i32
        %add3A_819 = arith.addi %mul3A_777, %add3A_818 : i32
        %get3A_820 = arith.index_cast %add3A_819 : i32 to index
        %get3A_821 = tpu.vector_load %arg5[%get3A_820] {strides = array<i32>} : memref<32768xf32, #tpu.memory_space<vmem>>, vector<16xf32>,
        %add3A_822 = arith.constant 176 : i32
        %add3A_823 = arith.addi %mul3A_777, %add3A_822 : i32
        %get3A_824 = arith.index_cast %add3A_823 : i32 to index
        %get3A_825 = tpu.vector_load %arg5[%get3A_824] {strides = array<i32>} : memref<32768xf32, #tpu.memory_space<vmem>>, vector<16xf32>,
        %add3A_826 = arith.constant 192 : i32
        %add3A_827 = arith.addi %mul3A_777, %add3A_826 : i32
        %get3A_828 = arith.index_cast %add3A_827 : i32 to index
        %get3A_829 = tpu.vector_load %arg5[%get3A_828] {strides = array<i32>} : memref<32768xf32, #tpu.memory_space<vmem>>, vector<16xf32>,
        %add3A_830 = arith.constant 208 : i32
        %add3A_831 = arith.addi %mul3A_777, %add3A_830 : i32
        %get3A_832 = arith.index_cast %add3A_831 : i32 to index
        %get3A_833 = tpu.vector_load %arg5[%get3A_832] {strides = array<i32>} : memref<32768xf32, #tpu.memory_space<vmem>>, vector<16xf32>,
        %add3A_834 = arith.constant 224 : i32
        %add3A_835 = arith.addi %mul3A_777, %add3A_834 : i32
        %get3A_836 = arith.index_cast %add3A_835 : i32 to index
        %get3A_837 = tpu.vector_load %arg5[%get3A_836] {strides = array<i32>} : memref<32768xf32, #tpu.memory_space<vmem>>, vector<16xf32>,
        %add3A_838 = arith.constant 240 : i32
        %add3A_839 = arith.addi %mul3A_777, %add3A_838 : i32
        %get3A_840 = arith.index_cast %add3A_839 : i32 to index
        %get3A_841 = tpu.vector_load %arg5[%get3A_840] {strides = array<i32>} : memref<32768xf32, #tpu.memory_space<vmem>>, vector<16xf32>,
        %max3A_842 = arith.maximumf %get3A_781, %get3A_785 : vector<16xf32>
        %max3A_843 = arith.maximumf %get3A_789, %get3A_793 : vector<16xf32>
        %max3A_844 = arith.maximumf %get3A_797, %get3A_801 : vector<16xf32>
        %max3A_845 = arith.maximumf %get3A_805, %get3A_809 : vector<16xf32>
        %max3A_846 = arith.maximumf %get3A_813, %get3A_817 : vector<16xf32>
        %max3A_847 = arith.maximumf %get3A_821, %get3A_825 : vector<16xf32>
        %max3A_848 = arith.maximumf %get3A_829, %get3A_833 : vector<16xf32>
        %max3A_849 = arith.maximumf %get3A_837, %get3A_841 : vector<16xf32>
        %max3A_850 = arith.maximumf %max3A_842, %max3A_843 : vector<16xf32>
        %max3A_851 = arith.maximumf %max3A_844, %max3A_845 : vector<16xf32>
        %max3A_852 = arith.maximumf %max3A_846, %max3A_847 : vector<16xf32>
        %max3A_853 = arith.maximumf %max3A_848, %max3A_849 : vector<16xf32>
        %max3A_854 = arith.maximumf %max3A_850, %max3A_851 : vector<16xf32>
        %max3A_855 = arith.maximumf %max3A_852, %max3A_853 : vector<16xf32>
        %max3A_856 = arith.maximumf %max3A_854, %max3A_855 : vector<16xf32>
        %gt3A_857 = arith.cmpf ogt, %max3A_856, %select_n3A_771 : vector<16xf32>
        %select_n3A_858 = arith.select %gt3A_857, %max3A_856, %select_n3A_771 : vector<16xi1>, vector<16xf32>
        %broadcast_in_dim3A_859 = vector.broadcast %scan3A_775 : i32 to vector<16xi32>
        %select_n3A_860 = arith.select %gt3A_857, %broadcast_in_dim3A_859, %select_n3A_773 : vector<16xi1>, vector<16xi32>
        %scan3A_861 = arith.constant 2 : i32
        %scan3A_862 = arith.addi %scan3A_687, %scan3A_861 : i32
        %mul3A_863 = arith.constant 256 : i32
        %mul3A_864 = arith.muli %scan3A_862, %mul3A_863 : i32
        %add3A_865 = arith.constant 0 : i32
        %add3A_866 = arith.addi %mul3A_864, %add3A_865 : i32
        %get3A_867 = arith.index_cast %add3A_866 : i32 to index
        %get3A_868 = tpu.vector_load %arg5[%get3A_867] {strides = array<i32>} : memref<32768xf32, #tpu.memory_space<vmem>>, vector<16xf32>,
        %add3A_869 = arith.constant 16 : i32
        %add3A_870 = arith.addi %mul3A_864, %add3A_869 : i32
        %get3A_871 = arith.index_cast %add3A_870 : i32 to index
        %get3A_872 = tpu.vector_load %arg5[%get3A_871] {strides = array<i32>} : memref<32768xf32, #tpu.memory_space<vmem>>, vector<16xf32>,
        %add3A_873 = arith.constant 32 : i32
        %add3A_874 = arith.addi %mul3A_864, %add3A_873 : i32
        %get3A_875 = arith.index_cast %add3A_874 : i32 to index
        %get3A_876 = tpu.vector_load %arg5[%get3A_875] {strides = array<i32>} : memref<32768xf32, #tpu.memory_space<vmem>>, vector<16xf32>,
        %add3A_877 = arith.constant 48 : i32
        %add3A_878 = arith.addi %mul3A_864, %add3A_877 : i32
        %get3A_879 = arith.index_cast %add3A_878 : i32 to index
        %get3A_880 = tpu.vector_load %arg5[%get3A_879] {strides = array<i32>} : memref<32768xf32, #tpu.memory_space<vmem>>, vector<16xf32>,
        %add3A_881 = arith.constant 64 : i32
        %add3A_882 = arith.addi %mul3A_864, %add3A_881 : i32
        %get3A_883 = arith.index_cast %add3A_882 : i32 to index
        %get3A_884 = tpu.vector_load %arg5[%get3A_883] {strides = array<i32>} : memref<32768xf32, #tpu.memory_space<vmem>>, vector<16xf32>,
        %add3A_885 = arith.constant 80 : i32
        %add3A_886 = arith.addi %mul3A_864, %add3A_885 : i32
        %get3A_887 = arith.index_cast %add3A_886 : i32 to index
        %get3A_888 = tpu.vector_load %arg5[%get3A_887] {strides = array<i32>} : memref<32768xf32, #tpu.memory_space<vmem>>, vector<16xf32>,
        %add3A_889 = arith.constant 96 : i32
        %add3A_890 = arith.addi %mul3A_864, %add3A_889 : i32
        %get3A_891 = arith.index_cast %add3A_890 : i32 to index
        %get3A_892 = tpu.vector_load %arg5[%get3A_891] {strides = array<i32>} : memref<32768xf32, #tpu.memory_space<vmem>>, vector<16xf32>,
        %add3A_893 = arith.constant 112 : i32
        %add3A_894 = arith.addi %mul3A_864, %add3A_893 : i32
        %get3A_895 = arith.index_cast %add3A_894 : i32 to index
        %get3A_896 = tpu.vector_load %arg5[%get3A_895] {strides = array<i32>} : memref<32768xf32, #tpu.memory_space<vmem>>, vector<16xf32>,
        %add3A_897 = arith.constant 128 : i32
        %add3A_898 = arith.addi %mul3A_864, %add3A_897 : i32
        %get3A_899 = arith.index_cast %add3A_898 : i32 to index
        %get3A_900 = tpu.vector_load %arg5[%get3A_899] {strides = array<i32>} : memref<32768xf32, #tpu.memory_space<vmem>>, vector<16xf32>,
        %add3A_901 = arith.constant 144 : i32
        %add3A_902 = arith.addi %mul3A_864, %add3A_901 : i32
        %get3A_903 = arith.index_cast %add3A_902 : i32 to index
        %get3A_904 = tpu.vector_load %arg5[%get3A_903] {strides = array<i32>} : memref<32768xf32, #tpu.memory_space<vmem>>, vector<16xf32>,
        %add3A_905 = arith.constant 160 : i32
        %add3A_906 = arith.addi %mul3A_864, %add3A_905 : i32
        %get3A_907 = arith.index_cast %add3A_906 : i32 to index
        %get3A_908 = tpu.vector_load %arg5[%get3A_907] {strides = array<i32>} : memref<32768xf32, #tpu.memory_space<vmem>>, vector<16xf32>,
        %add3A_909 = arith.constant 176 : i32
        %add3A_910 = arith.addi %mul3A_864, %add3A_909 : i32
        %get3A_911 = arith.index_cast %add3A_910 : i32 to index
        %get3A_912 = tpu.vector_load %arg5[%get3A_911] {strides = array<i32>} : memref<32768xf32, #tpu.memory_space<vmem>>, vector<16xf32>,
        %add3A_913 = arith.constant 192 : i32
        %add3A_914 = arith.addi %mul3A_864, %add3A_913 : i32
        %get3A_915 = arith.index_cast %add3A_914 : i32 to index
        %get3A_916 = tpu.vector_load %arg5[%get3A_915] {strides = array<i32>} : memref<32768xf32, #tpu.memory_space<vmem>>, vector<16xf32>,
        %add3A_917 = arith.constant 208 : i32
        %add3A_918 = arith.addi %mul3A_864, %add3A_917 : i32
        %get3A_919 = arith.index_cast %add3A_918 : i32 to index
        %get3A_920 = tpu.vector_load %arg5[%get3A_919] {strides = array<i32>} : memref<32768xf32, #tpu.memory_space<vmem>>, vector<16xf32>,
        %add3A_921 = arith.constant 224 : i32
        %add3A_922 = arith.addi %mul3A_864, %add3A_921 : i32
        %get3A_923 = arith.index_cast %add3A_922 : i32 to index
        %get3A_924 = tpu.vector_load %arg5[%get3A_923] {strides = array<i32>} : memref<32768xf32, #tpu.memory_space<vmem>>, vector<16xf32>,
        %add3A_925 = arith.constant 240 : i32
        %add3A_926 = arith.addi %mul3A_864, %add3A_925 : i32
        %get3A_927 = arith.index_cast %add3A_926 : i32 to index
        %get3A_928 = tpu.vector_load %arg5[%get3A_927] {strides = array<i32>} : memref<32768xf32, #tpu.memory_space<vmem>>, vector<16xf32>,
        %max3A_929 = arith.maximumf %get3A_868, %get3A_872 : vector<16xf32>
        %max3A_930 = arith.maximumf %get3A_876, %get3A_880 : vector<16xf32>
        %max3A_931 = arith.maximumf %get3A_884, %get3A_888 : vector<16xf32>
        %max3A_932 = arith.maximumf %get3A_892, %get3A_896 : vector<16xf32>
        %max3A_933 = arith.maximumf %get3A_900, %get3A_904 : vector<16xf32>
        %max3A_934 = arith.maximumf %get3A_908, %get3A_912 : vector<16xf32>
        %max3A_935 = arith.maximumf %get3A_916, %get3A_920 : vector<16xf32>
        %max3A_936 = arith.maximumf %get3A_924, %get3A_928 : vector<16xf32>
        %max3A_937 = arith.maximumf %max3A_929, %max3A_930 : vector<16xf32>
        %max3A_938 = arith.maximumf %max3A_931, %max3A_932 : vector<16xf32>
        %max3A_939 = arith.maximumf %max3A_933, %max3A_934 : vector<16xf32>
        %max3A_940 = arith.maximumf %max3A_935, %max3A_936 : vector<16xf32>
        %max3A_941 = arith.maximumf %max3A_937, %max3A_938 : vector<16xf32>
        %max3A_942 = arith.maximumf %max3A_939, %max3A_940 : vector<16xf32>
        %max3A_943 = arith.maximumf %max3A_941, %max3A_942 : vector<16xf32>
        %gt3A_944 = arith.cmpf ogt, %max3A_943, %select_n3A_858 : vector<16xf32>
        %select_n3A_945 = arith.select %gt3A_944, %max3A_943, %select_n3A_858 : vector<16xi1>, vector<16xf32>
        %broadcast_in_dim3A_946 = vector.broadcast %scan3A_862 : i32 to vector<16xi32>
        %select_n3A_947 = arith.select %gt3A_944, %broadcast_in_dim3A_946, %select_n3A_860 : vector<16xi1>, vector<16xi32>
        %scan3A_948 = arith.constant 3 : i32
        %scan3A_949 = arith.addi %scan3A_687, %scan3A_948 : i32
        %mul3A_950 = arith.constant 256 : i32
        %mul3A_951 = arith.muli %scan3A_949, %mul3A_950 : i32
        %add3A_952 = arith.constant 0 : i32
        %add3A_953 = arith.addi %mul3A_951, %add3A_952 : i32
        %get3A_954 = arith.index_cast %add3A_953 : i32 to index
        %get3A_955 = tpu.vector_load %arg5[%get3A_954] {strides = array<i32>} : memref<32768xf32, #tpu.memory_space<vmem>>, vector<16xf32>,
        %add3A_956 = arith.constant 16 : i32
        %add3A_957 = arith.addi %mul3A_951, %add3A_956 : i32
        %get3A_958 = arith.index_cast %add3A_957 : i32 to index
        %get3A_959 = tpu.vector_load %arg5[%get3A_958] {strides = array<i32>} : memref<32768xf32, #tpu.memory_space<vmem>>, vector<16xf32>,
        %add3A_960 = arith.constant 32 : i32
        %add3A_961 = arith.addi %mul3A_951, %add3A_960 : i32
        %get3A_962 = arith.index_cast %add3A_961 : i32 to index
        %get3A_963 = tpu.vector_load %arg5[%get3A_962] {strides = array<i32>} : memref<32768xf32, #tpu.memory_space<vmem>>, vector<16xf32>,
        %add3A_964 = arith.constant 48 : i32
        %add3A_965 = arith.addi %mul3A_951, %add3A_964 : i32
        %get3A_966 = arith.index_cast %add3A_965 : i32 to index
        %get3A_967 = tpu.vector_load %arg5[%get3A_966] {strides = array<i32>} : memref<32768xf32, #tpu.memory_space<vmem>>, vector<16xf32>,
        %add3A_968 = arith.constant 64 : i32
        %add3A_969 = arith.addi %mul3A_951, %add3A_968 : i32
        %get3A_970 = arith.index_cast %add3A_969 : i32 to index
        %get3A_971 = tpu.vector_load %arg5[%get3A_970] {strides = array<i32>} : memref<32768xf32, #tpu.memory_space<vmem>>, vector<16xf32>,
        %add3A_972 = arith.constant 80 : i32
        %add3A_973 = arith.addi %mul3A_951, %add3A_972 : i32
        %get3A_974 = arith.index_cast %add3A_973 : i32 to index
        %get3A_975 = tpu.vector_load %arg5[%get3A_974] {strides = array<i32>} : memref<32768xf32, #tpu.memory_space<vmem>>, vector<16xf32>,
        %add3A_976 = arith.constant 96 : i32
        %add3A_977 = arith.addi %mul3A_951, %add3A_976 : i32
        %get3A_978 = arith.index_cast %add3A_977 : i32 to index
        %get3A_979 = tpu.vector_load %arg5[%get3A_978] {strides = array<i32>} : memref<32768xf32, #tpu.memory_space<vmem>>, vector<16xf32>,
        %add3A_980 = arith.constant 112 : i32
        %add3A_981 = arith.addi %mul3A_951, %add3A_980 : i32
        %get3A_982 = arith.index_cast %add3A_981 : i32 to index
        %get3A_983 = tpu.vector_load %arg5[%get3A_982] {strides = array<i32>} : memref<32768xf32, #tpu.memory_space<vmem>>, vector<16xf32>,
        %add3A_984 = arith.constant 128 : i32
        %add3A_985 = arith.addi %mul3A_951, %add3A_984 : i32
        %get3A_986 = arith.index_cast %add3A_985 : i32 to index
        %get3A_987 = tpu.vector_load %arg5[%get3A_986] {strides = array<i32>} : memref<32768xf32, #tpu.memory_space<vmem>>, vector<16xf32>,
        %add3A_988 = arith.constant 144 : i32
        %add3A_989 = arith.addi %mul3A_951, %add3A_988 : i32
        %get3A_990 = arith.index_cast %add3A_989 : i32 to index
        %get3A_991 = tpu.vector_load %arg5[%get3A_990] {strides = array<i32>} : memref<32768xf32, #tpu.memory_space<vmem>>, vector<16xf32>,
        %add3A_992 = arith.constant 160 : i32
        %add3A_993 = arith.addi %mul3A_951, %add3A_992 : i32
        %get3A_994 = arith.index_cast %add3A_993 : i32 to index
        %get3A_995 = tpu.vector_load %arg5[%get3A_994] {strides = array<i32>} : memref<32768xf32, #tpu.memory_space<vmem>>, vector<16xf32>,
        %add3A_996 = arith.constant 176 : i32
        %add3A_997 = arith.addi %mul3A_951, %add3A_996 : i32
        %get3A_998 = arith.index_cast %add3A_997 : i32 to index
        %get3A_999 = tpu.vector_load %arg5[%get3A_998] {strides = array<i32>} : memref<32768xf32, #tpu.memory_space<vmem>>, vector<16xf32>,
        %add3A_1000 = arith.constant 192 : i32
        %add3A_1001 = arith.addi %mul3A_951, %add3A_1000 : i32
        %get3A_1002 = arith.index_cast %add3A_1001 : i32 to index
        %get3A_1003 = tpu.vector_load %arg5[%get3A_1002] {strides = array<i32>} : memref<32768xf32, #tpu.memory_space<vmem>>, vector<16xf32>,
        %add3A_1004 = arith.constant 208 : i32
        %add3A_1005 = arith.addi %mul3A_951, %add3A_1004 : i32
        %get3A_1006 = arith.index_cast %add3A_1005 : i32 to index
        %get3A_1007 = tpu.vector_load %arg5[%get3A_1006] {strides = array<i32>} : memref<32768xf32, #tpu.memory_space<vmem>>, vector<16xf32>,
        %add3A_1008 = arith.constant 224 : i32
        %add3A_1009 = arith.addi %mul3A_951, %add3A_1008 : i32
        %get3A_1010 = arith.index_cast %add3A_1009 : i32 to index
        %get3A_1011 = tpu.vector_load %arg5[%get3A_1010] {strides = array<i32>} : memref<32768xf32, #tpu.memory_space<vmem>>, vector<16xf32>,
        %add3A_1012 = arith.constant 240 : i32
        %add3A_1013 = arith.addi %mul3A_951, %add3A_1012 : i32
        %get3A_1014 = arith.index_cast %add3A_1013 : i32 to index
        %get3A_1015 = tpu.vector_load %arg5[%get3A_1014] {strides = array<i32>} : memref<32768xf32, #tpu.memory_space<vmem>>, vector<16xf32>,
        %max3A_1016 = arith.maximumf %get3A_955, %get3A_959 : vector<16xf32>
        %max3A_1017 = arith.maximumf %get3A_963, %get3A_967 : vector<16xf32>
        %max3A_1018 = arith.maximumf %get3A_971, %get3A_975 : vector<16xf32>
        %max3A_1019 = arith.maximumf %get3A_979, %get3A_983 : vector<16xf32>
        %max3A_1020 = arith.maximumf %get3A_987, %get3A_991 : vector<16xf32>
        %max3A_1021 = arith.maximumf %get3A_995, %get3A_999 : vector<16xf32>
        %max3A_1022 = arith.maximumf %get3A_1003, %get3A_1007 : vector<16xf32>
        %max3A_1023 = arith.maximumf %get3A_1011, %get3A_1015 : vector<16xf32>
        %max3A_1024 = arith.maximumf %max3A_1016, %max3A_1017 : vector<16xf32>
        %max3A_1025 = arith.maximumf %max3A_1018, %max3A_1019 : vector<16xf32>
        %max3A_1026 = arith.maximumf %max3A_1020, %max3A_1021 : vector<16xf32>
        %max3A_1027 = arith.maximumf %max3A_1022, %max3A_1023 : vector<16xf32>
        %max3A_1028 = arith.maximumf %max3A_1024, %max3A_1025 : vector<16xf32>
        %max3A_1029 = arith.maximumf %max3A_1026, %max3A_1027 : vector<16xf32>
        %max3A_1030 = arith.maximumf %max3A_1028, %max3A_1029 : vector<16xf32>
        %gt3A_1031 = arith.cmpf ogt, %max3A_1030, %select_n3A_945 : vector<16xf32>
        %select_n3A_1032 = arith.select %gt3A_1031, %max3A_1030, %select_n3A_945 : vector<16xi1>, vector<16xf32>
        %broadcast_in_dim3A_1033 = vector.broadcast %scan3A_949 : i32 to vector<16xi32>
        %select_n3A_1034 = arith.select %gt3A_1031, %broadcast_in_dim3A_1033, %select_n3A_947 : vector<16xi1>, vector<16xi32>
        scf.yield %select_n3A_1032, %select_n3A_1034 : vector<16xf32>, vector<16xi32>
      }
      %scan3A_367 = arith.constant 128 : i32
      %swap3A_368 = arith.constant 0 : index
      %swap3A_369 = tpu.vector_load %arg7[%swap3A_368] {strides = array<i32>} : memref<16xf32, #tpu.memory_space<vmem>>, vector<16xf32>,
      tpu.vector_store %arg7[%swap3A_368], %scan3A_366#0 {strides = array<i32>} : memref<16xf32, #tpu.memory_space<vmem>>, vector<16xf32>,
      %xor3A_370 = arith.constant 1 : i32
      %xor3A_371 = vector.broadcast %xor3A_370 : i32 to vector<16xi32>
      %xor3A_372 = arith.xori %iota3A, %xor3A_371 : vector<16xi32>
      %gather3A_373 = tpu.vector_load_idx %arg7[%xor3A_372] : memref<16xf32, #tpu.memory_space<vmem>>[vector<16xi32>], vector<16xf32>,
      %max3A_374 = arith.maximumf %scan3A_366#0, %gather3A_373 : vector<16xf32>
      %swap3A_375 = arith.constant 0 : index
      %swap3A_376 = tpu.vector_load %arg7[%swap3A_375] {strides = array<i32>} : memref<16xf32, #tpu.memory_space<vmem>>, vector<16xf32>,
      tpu.vector_store %arg7[%swap3A_375], %max3A_374 {strides = array<i32>} : memref<16xf32, #tpu.memory_space<vmem>>, vector<16xf32>,
      %xor3A_377 = arith.constant 2 : i32
      %xor3A_378 = vector.broadcast %xor3A_377 : i32 to vector<16xi32>
      %xor3A_379 = arith.xori %iota3A, %xor3A_378 : vector<16xi32>
      %gather3A_380 = tpu.vector_load_idx %arg7[%xor3A_379] : memref<16xf32, #tpu.memory_space<vmem>>[vector<16xi32>], vector<16xf32>,
      %max3A_381 = arith.maximumf %max3A_374, %gather3A_380 : vector<16xf32>
      %swap3A_382 = arith.constant 0 : index
      %swap3A_383 = tpu.vector_load %arg7[%swap3A_382] {strides = array<i32>} : memref<16xf32, #tpu.memory_space<vmem>>, vector<16xf32>,
      tpu.vector_store %arg7[%swap3A_382], %max3A_381 {strides = array<i32>} : memref<16xf32, #tpu.memory_space<vmem>>, vector<16xf32>,
      %xor3A_384 = arith.constant 4 : i32
      %xor3A_385 = vector.broadcast %xor3A_384 : i32 to vector<16xi32>
      %xor3A_386 = arith.xori %iota3A, %xor3A_385 : vector<16xi32>
      %gather3A_387 = tpu.vector_load_idx %arg7[%xor3A_386] : memref<16xf32, #tpu.memory_space<vmem>>[vector<16xi32>], vector<16xf32>,
      %max3A_388 = arith.maximumf %max3A_381, %gather3A_387 : vector<16xf32>
      %swap3A_389 = arith.constant 0 : index
      %swap3A_390 = tpu.vector_load %arg7[%swap3A_389] {strides = array<i32>} : memref<16xf32, #tpu.memory_space<vmem>>, vector<16xf32>,
      tpu.vector_store %arg7[%swap3A_389], %max3A_388 {strides = array<i32>} : memref<16xf32, #tpu.memory_space<vmem>>, vector<16xf32>,
      %xor3A_391 = arith.constant 8 : i32
      %xor3A_392 = vector.broadcast %xor3A_391 : i32 to vector<16xi32>
      %xor3A_393 = arith.xori %iota3A, %xor3A_392 : vector<16xi32>
      %gather3A_394 = tpu.vector_load_idx %arg7[%xor3A_393] : memref<16xf32, #tpu.memory_space<vmem>>[vector<16xi32>], vector<16xf32>,
      %max3A_395 = arith.maximumf %max3A_388, %gather3A_394 : vector<16xf32>
      %eq3A_396 = arith.cmpf oeq, %scan3A_366#0, %max3A_395 : vector<16xf32>
      %jit3A_397 = arith.constant 1048576 : i32
      %broadcast_in_dim3A_398 = vector.broadcast %jit3A_397 : i32 to vector<16xi32>
      %select_n3A_399 = arith.select %eq3A_396, %scan3A_366#1, %broadcast_in_dim3A_398 : vector<16xi1>, vector<16xi32>
      %swap3A_400 = arith.constant 0 : index
      %swap3A_401 = tpu.vector_load %arg8[%swap3A_400] {strides = array<i32>} : memref<16xi32, #tpu.memory_space<vmem>>, vector<16xi32>,
      tpu.vector_store %arg8[%swap3A_400], %select_n3A_399 {strides = array<i32>} : memref<16xi32, #tpu.memory_space<vmem>>, vector<16xi32>,
      %xor3A_402 = arith.constant 1 : i32
      %xor3A_403 = vector.broadcast %xor3A_402 : i32 to vector<16xi32>
      %xor3A_404 = arith.xori %iota3A, %xor3A_403 : vector<16xi32>
      %gather3A_405 = tpu.vector_load_idx %arg8[%xor3A_404] : memref<16xi32, #tpu.memory_space<vmem>>[vector<16xi32>], vector<16xi32>,
      %min3A_406 = arith.minsi %select_n3A_399, %gather3A_405 : vector<16xi32>
      %swap3A_407 = arith.constant 0 : index
      %swap3A_408 = tpu.vector_load %arg8[%swap3A_407] {strides = array<i32>} : memref<16xi32, #tpu.memory_space<vmem>>, vector<16xi32>,
      tpu.vector_store %arg8[%swap3A_407], %min3A_406 {strides = array<i32>} : memref<16xi32, #tpu.memory_space<vmem>>, vector<16xi32>,
      %xor3A_409 = arith.constant 2 : i32
      %xor3A_410 = vector.broadcast %xor3A_409 : i32 to vector<16xi32>
      %xor3A_411 = arith.xori %iota3A, %xor3A_410 : vector<16xi32>
      %gather3A_412 = tpu.vector_load_idx %arg8[%xor3A_411] : memref<16xi32, #tpu.memory_space<vmem>>[vector<16xi32>], vector<16xi32>,
      %min3A_413 = arith.minsi %min3A_406, %gather3A_412 : vector<16xi32>
      %swap3A_414 = arith.constant 0 : index
      %swap3A_415 = tpu.vector_load %arg8[%swap3A_414] {strides = array<i32>} : memref<16xi32, #tpu.memory_space<vmem>>, vector<16xi32>,
      tpu.vector_store %arg8[%swap3A_414], %min3A_413 {strides = array<i32>} : memref<16xi32, #tpu.memory_space<vmem>>, vector<16xi32>,
      %xor3A_416 = arith.constant 4 : i32
      %xor3A_417 = vector.broadcast %xor3A_416 : i32 to vector<16xi32>
      %xor3A_418 = arith.xori %iota3A, %xor3A_417 : vector<16xi32>
      %gather3A_419 = tpu.vector_load_idx %arg8[%xor3A_418] : memref<16xi32, #tpu.memory_space<vmem>>[vector<16xi32>], vector<16xi32>,
      %min3A_420 = arith.minsi %min3A_413, %gather3A_419 : vector<16xi32>
      %swap3A_421 = arith.constant 0 : index
      %swap3A_422 = tpu.vector_load %arg8[%swap3A_421] {strides = array<i32>} : memref<16xi32, #tpu.memory_space<vmem>>, vector<16xi32>,
      tpu.vector_store %arg8[%swap3A_421], %min3A_420 {strides = array<i32>} : memref<16xi32, #tpu.memory_space<vmem>>, vector<16xi32>,
      %xor3A_423 = arith.constant 8 : i32
      %xor3A_424 = vector.broadcast %xor3A_423 : i32 to vector<16xi32>
      %xor3A_425 = arith.xori %iota3A, %xor3A_424 : vector<16xi32>
      %gather3A_426 = tpu.vector_load_idx %arg8[%xor3A_425] : memref<16xi32, #tpu.memory_space<vmem>>[vector<16xi32>], vector<16xi32>,
      %min3A_427 = arith.minsi %min3A_420, %gather3A_426 : vector<16xi32>
      %slice3A_428 = vector.extract_strided_slice %min3A_427 {offsets = [0], sizes = [1], strides = [1]} : vector<16xi32> to vector<1xi32>
      %squeeze3A_429 = vector.extract %slice3A_428[0] : i32 from vector<1xi32>
      %mul3A_430 = arith.constant 256 : i32
      %mul3A_431 = arith.muli %squeeze3A_429, %mul3A_430 : i32
      %broadcast_in_dim3A_432 = arith.constant 1048576 : i32
      %broadcast_in_dim3A_433 = vector.broadcast %broadcast_in_dim3A_432 : i32 to vector<16xi32>
      %add3A_434 = arith.constant 0 : i32
      %add3A_435 = arith.addi %mul3A_431, %add3A_434 : i32
      %get3A_436 = arith.index_cast %add3A_435 : i32 to index
      %get3A_437 = tpu.vector_load %arg5[%get3A_436] {strides = array<i32>} : memref<32768xf32, #tpu.memory_space<vmem>>, vector<16xf32>,
      %eq3A_438 = arith.cmpf oeq, %get3A_437, %max3A_395 : vector<16xf32>
      %jit3A_439 = arith.constant 0 : i32
      %jit3A_440 = arith.constant 1048576 : i32
      %broadcast_in_dim3A_441 = vector.broadcast %jit3A_439 : i32 to vector<16xi32>
      %broadcast_in_dim3A_442 = vector.broadcast %jit3A_440 : i32 to vector<16xi32>
      %select_n3A_443 = arith.select %eq3A_438, %broadcast_in_dim3A_441, %broadcast_in_dim3A_442 : vector<16xi1>, vector<16xi32>
      %min3A_444 = arith.minsi %broadcast_in_dim3A_433, %select_n3A_443 : vector<16xi32>
      %add3A_445 = arith.constant 16 : i32
      %add3A_446 = arith.addi %mul3A_431, %add3A_445 : i32
      %get3A_447 = arith.index_cast %add3A_446 : i32 to index
      %get3A_448 = tpu.vector_load %arg5[%get3A_447] {strides = array<i32>} : memref<32768xf32, #tpu.memory_space<vmem>>, vector<16xf32>,
      %eq3A_449 = arith.cmpf oeq, %get3A_448, %max3A_395 : vector<16xf32>
      %jit3A_450 = arith.constant 1 : i32
      %jit3A_451 = arith.constant 1048576 : i32
      %broadcast_in_dim3A_452 = vector.broadcast %jit3A_450 : i32 to vector<16xi32>
      %broadcast_in_dim3A_453 = vector.broadcast %jit3A_451 : i32 to vector<16xi32>
      %select_n3A_454 = arith.select %eq3A_449, %broadcast_in_dim3A_452, %broadcast_in_dim3A_453 : vector<16xi1>, vector<16xi32>
      %min3A_455 = arith.minsi %min3A_444, %select_n3A_454 : vector<16xi32>
      %add3A_456 = arith.constant 32 : i32
      %add3A_457 = arith.addi %mul3A_431, %add3A_456 : i32
      %get3A_458 = arith.index_cast %add3A_457 : i32 to index
      %get3A_459 = tpu.vector_load %arg5[%get3A_458] {strides = array<i32>} : memref<32768xf32, #tpu.memory_space<vmem>>, vector<16xf32>,
      %eq3A_460 = arith.cmpf oeq, %get3A_459, %max3A_395 : vector<16xf32>
      %jit3A_461 = arith.constant 2 : i32
      %jit3A_462 = arith.constant 1048576 : i32
      %broadcast_in_dim3A_463 = vector.broadcast %jit3A_461 : i32 to vector<16xi32>
      %broadcast_in_dim3A_464 = vector.broadcast %jit3A_462 : i32 to vector<16xi32>
      %select_n3A_465 = arith.select %eq3A_460, %broadcast_in_dim3A_463, %broadcast_in_dim3A_464 : vector<16xi1>, vector<16xi32>
      %min3A_466 = arith.minsi %min3A_455, %select_n3A_465 : vector<16xi32>
      %add3A_467 = arith.constant 48 : i32
      %add3A_468 = arith.addi %mul3A_431, %add3A_467 : i32
      %get3A_469 = arith.index_cast %add3A_468 : i32 to index
      %get3A_470 = tpu.vector_load %arg5[%get3A_469] {strides = array<i32>} : memref<32768xf32, #tpu.memory_space<vmem>>, vector<16xf32>,
      %eq3A_471 = arith.cmpf oeq, %get3A_470, %max3A_395 : vector<16xf32>
      %jit3A_472 = arith.constant 3 : i32
      %jit3A_473 = arith.constant 1048576 : i32
      %broadcast_in_dim3A_474 = vector.broadcast %jit3A_472 : i32 to vector<16xi32>
      %broadcast_in_dim3A_475 = vector.broadcast %jit3A_473 : i32 to vector<16xi32>
      %select_n3A_476 = arith.select %eq3A_471, %broadcast_in_dim3A_474, %broadcast_in_dim3A_475 : vector<16xi1>, vector<16xi32>
      %min3A_477 = arith.minsi %min3A_466, %select_n3A_476 : vector<16xi32>
      %add3A_478 = arith.constant 64 : i32
      %add3A_479 = arith.addi %mul3A_431, %add3A_478 : i32
      %get3A_480 = arith.index_cast %add3A_479 : i32 to index
      %get3A_481 = tpu.vector_load %arg5[%get3A_480] {strides = array<i32>} : memref<32768xf32, #tpu.memory_space<vmem>>, vector<16xf32>,
      %eq3A_482 = arith.cmpf oeq, %get3A_481, %max3A_395 : vector<16xf32>
      %jit3A_483 = arith.constant 4 : i32
      %jit3A_484 = arith.constant 1048576 : i32
      %broadcast_in_dim3A_485 = vector.broadcast %jit3A_483 : i32 to vector<16xi32>
      %broadcast_in_dim3A_486 = vector.broadcast %jit3A_484 : i32 to vector<16xi32>
      %select_n3A_487 = arith.select %eq3A_482, %broadcast_in_dim3A_485, %broadcast_in_dim3A_486 : vector<16xi1>, vector<16xi32>
      %min3A_488 = arith.minsi %min3A_477, %select_n3A_487 : vector<16xi32>
      %add3A_489 = arith.constant 80 : i32
      %add3A_490 = arith.addi %mul3A_431, %add3A_489 : i32
      %get3A_491 = arith.index_cast %add3A_490 : i32 to index
      %get3A_492 = tpu.vector_load %arg5[%get3A_491] {strides = array<i32>} : memref<32768xf32, #tpu.memory_space<vmem>>, vector<16xf32>,
      %eq3A_493 = arith.cmpf oeq, %get3A_492, %max3A_395 : vector<16xf32>
      %jit3A_494 = arith.constant 5 : i32
      %jit3A_495 = arith.constant 1048576 : i32
      %broadcast_in_dim3A_496 = vector.broadcast %jit3A_494 : i32 to vector<16xi32>
      %broadcast_in_dim3A_497 = vector.broadcast %jit3A_495 : i32 to vector<16xi32>
      %select_n3A_498 = arith.select %eq3A_493, %broadcast_in_dim3A_496, %broadcast_in_dim3A_497 : vector<16xi1>, vector<16xi32>
      %min3A_499 = arith.minsi %min3A_488, %select_n3A_498 : vector<16xi32>
      %add3A_500 = arith.constant 96 : i32
      %add3A_501 = arith.addi %mul3A_431, %add3A_500 : i32
      %get3A_502 = arith.index_cast %add3A_501 : i32 to index
      %get3A_503 = tpu.vector_load %arg5[%get3A_502] {strides = array<i32>} : memref<32768xf32, #tpu.memory_space<vmem>>, vector<16xf32>,
      %eq3A_504 = arith.cmpf oeq, %get3A_503, %max3A_395 : vector<16xf32>
      %jit3A_505 = arith.constant 6 : i32
      %jit3A_506 = arith.constant 1048576 : i32
      %broadcast_in_dim3A_507 = vector.broadcast %jit3A_505 : i32 to vector<16xi32>
      %broadcast_in_dim3A_508 = vector.broadcast %jit3A_506 : i32 to vector<16xi32>
      %select_n3A_509 = arith.select %eq3A_504, %broadcast_in_dim3A_507, %broadcast_in_dim3A_508 : vector<16xi1>, vector<16xi32>
      %min3A_510 = arith.minsi %min3A_499, %select_n3A_509 : vector<16xi32>
      %add3A_511 = arith.constant 112 : i32
      %add3A_512 = arith.addi %mul3A_431, %add3A_511 : i32
      %get3A_513 = arith.index_cast %add3A_512 : i32 to index
      %get3A_514 = tpu.vector_load %arg5[%get3A_513] {strides = array<i32>} : memref<32768xf32, #tpu.memory_space<vmem>>, vector<16xf32>,
      %eq3A_515 = arith.cmpf oeq, %get3A_514, %max3A_395 : vector<16xf32>
      %jit3A_516 = arith.constant 7 : i32
      %jit3A_517 = arith.constant 1048576 : i32
      %broadcast_in_dim3A_518 = vector.broadcast %jit3A_516 : i32 to vector<16xi32>
      %broadcast_in_dim3A_519 = vector.broadcast %jit3A_517 : i32 to vector<16xi32>
      %select_n3A_520 = arith.select %eq3A_515, %broadcast_in_dim3A_518, %broadcast_in_dim3A_519 : vector<16xi1>, vector<16xi32>
      %min3A_521 = arith.minsi %min3A_510, %select_n3A_520 : vector<16xi32>
      %add3A_522 = arith.constant 128 : i32
      %add3A_523 = arith.addi %mul3A_431, %add3A_522 : i32
      %get3A_524 = arith.index_cast %add3A_523 : i32 to index
      %get3A_525 = tpu.vector_load %arg5[%get3A_524] {strides = array<i32>} : memref<32768xf32, #tpu.memory_space<vmem>>, vector<16xf32>,
      %eq3A_526 = arith.cmpf oeq, %get3A_525, %max3A_395 : vector<16xf32>
      %jit3A_527 = arith.constant 8 : i32
      %jit3A_528 = arith.constant 1048576 : i32
      %broadcast_in_dim3A_529 = vector.broadcast %jit3A_527 : i32 to vector<16xi32>
      %broadcast_in_dim3A_530 = vector.broadcast %jit3A_528 : i32 to vector<16xi32>
      %select_n3A_531 = arith.select %eq3A_526, %broadcast_in_dim3A_529, %broadcast_in_dim3A_530 : vector<16xi1>, vector<16xi32>
      %min3A_532 = arith.minsi %min3A_521, %select_n3A_531 : vector<16xi32>
      %add3A_533 = arith.constant 144 : i32
      %add3A_534 = arith.addi %mul3A_431, %add3A_533 : i32
      %get3A_535 = arith.index_cast %add3A_534 : i32 to index
      %get3A_536 = tpu.vector_load %arg5[%get3A_535] {strides = array<i32>} : memref<32768xf32, #tpu.memory_space<vmem>>, vector<16xf32>,
      %eq3A_537 = arith.cmpf oeq, %get3A_536, %max3A_395 : vector<16xf32>
      %jit3A_538 = arith.constant 9 : i32
      %jit3A_539 = arith.constant 1048576 : i32
      %broadcast_in_dim3A_540 = vector.broadcast %jit3A_538 : i32 to vector<16xi32>
      %broadcast_in_dim3A_541 = vector.broadcast %jit3A_539 : i32 to vector<16xi32>
      %select_n3A_542 = arith.select %eq3A_537, %broadcast_in_dim3A_540, %broadcast_in_dim3A_541 : vector<16xi1>, vector<16xi32>
      %min3A_543 = arith.minsi %min3A_532, %select_n3A_542 : vector<16xi32>
      %add3A_544 = arith.constant 160 : i32
      %add3A_545 = arith.addi %mul3A_431, %add3A_544 : i32
      %get3A_546 = arith.index_cast %add3A_545 : i32 to index
      %get3A_547 = tpu.vector_load %arg5[%get3A_546] {strides = array<i32>} : memref<32768xf32, #tpu.memory_space<vmem>>, vector<16xf32>,
      %eq3A_548 = arith.cmpf oeq, %get3A_547, %max3A_395 : vector<16xf32>
      %jit3A_549 = arith.constant 10 : i32
      %jit3A_550 = arith.constant 1048576 : i32
      %broadcast_in_dim3A_551 = vector.broadcast %jit3A_549 : i32 to vector<16xi32>
      %broadcast_in_dim3A_552 = vector.broadcast %jit3A_550 : i32 to vector<16xi32>
      %select_n3A_553 = arith.select %eq3A_548, %broadcast_in_dim3A_551, %broadcast_in_dim3A_552 : vector<16xi1>, vector<16xi32>
      %min3A_554 = arith.minsi %min3A_543, %select_n3A_553 : vector<16xi32>
      %add3A_555 = arith.constant 176 : i32
      %add3A_556 = arith.addi %mul3A_431, %add3A_555 : i32
      %get3A_557 = arith.index_cast %add3A_556 : i32 to index
      %get3A_558 = tpu.vector_load %arg5[%get3A_557] {strides = array<i32>} : memref<32768xf32, #tpu.memory_space<vmem>>, vector<16xf32>,
      %eq3A_559 = arith.cmpf oeq, %get3A_558, %max3A_395 : vector<16xf32>
      %jit3A_560 = arith.constant 11 : i32
      %jit3A_561 = arith.constant 1048576 : i32
      %broadcast_in_dim3A_562 = vector.broadcast %jit3A_560 : i32 to vector<16xi32>
      %broadcast_in_dim3A_563 = vector.broadcast %jit3A_561 : i32 to vector<16xi32>
      %select_n3A_564 = arith.select %eq3A_559, %broadcast_in_dim3A_562, %broadcast_in_dim3A_563 : vector<16xi1>, vector<16xi32>
      %min3A_565 = arith.minsi %min3A_554, %select_n3A_564 : vector<16xi32>
      %add3A_566 = arith.constant 192 : i32
      %add3A_567 = arith.addi %mul3A_431, %add3A_566 : i32
      %get3A_568 = arith.index_cast %add3A_567 : i32 to index
      %get3A_569 = tpu.vector_load %arg5[%get3A_568] {strides = array<i32>} : memref<32768xf32, #tpu.memory_space<vmem>>, vector<16xf32>,
      %eq3A_570 = arith.cmpf oeq, %get3A_569, %max3A_395 : vector<16xf32>
      %jit3A_571 = arith.constant 12 : i32
      %jit3A_572 = arith.constant 1048576 : i32
      %broadcast_in_dim3A_573 = vector.broadcast %jit3A_571 : i32 to vector<16xi32>
      %broadcast_in_dim3A_574 = vector.broadcast %jit3A_572 : i32 to vector<16xi32>
      %select_n3A_575 = arith.select %eq3A_570, %broadcast_in_dim3A_573, %broadcast_in_dim3A_574 : vector<16xi1>, vector<16xi32>
      %min3A_576 = arith.minsi %min3A_565, %select_n3A_575 : vector<16xi32>
      %add3A_577 = arith.constant 208 : i32
      %add3A_578 = arith.addi %mul3A_431, %add3A_577 : i32
      %get3A_579 = arith.index_cast %add3A_578 : i32 to index
      %get3A_580 = tpu.vector_load %arg5[%get3A_579] {strides = array<i32>} : memref<32768xf32, #tpu.memory_space<vmem>>, vector<16xf32>,
      %eq3A_581 = arith.cmpf oeq, %get3A_580, %max3A_395 : vector<16xf32>
      %jit3A_582 = arith.constant 13 : i32
      %jit3A_583 = arith.constant 1048576 : i32
      %broadcast_in_dim3A_584 = vector.broadcast %jit3A_582 : i32 to vector<16xi32>
      %broadcast_in_dim3A_585 = vector.broadcast %jit3A_583 : i32 to vector<16xi32>
      %select_n3A_586 = arith.select %eq3A_581, %broadcast_in_dim3A_584, %broadcast_in_dim3A_585 : vector<16xi1>, vector<16xi32>
      %min3A_587 = arith.minsi %min3A_576, %select_n3A_586 : vector<16xi32>
      %add3A_588 = arith.constant 224 : i32
      %add3A_589 = arith.addi %mul3A_431, %add3A_588 : i32
      %get3A_590 = arith.index_cast %add3A_589 : i32 to index
      %get3A_591 = tpu.vector_load %arg5[%get3A_590] {strides = array<i32>} : memref<32768xf32, #tpu.memory_space<vmem>>, vector<16xf32>,
      %eq3A_592 = arith.cmpf oeq, %get3A_591, %max3A_395 : vector<16xf32>
      %jit3A_593 = arith.constant 14 : i32
      %jit3A_594 = arith.constant 1048576 : i32
      %broadcast_in_dim3A_595 = vector.broadcast %jit3A_593 : i32 to vector<16xi32>
      %broadcast_in_dim3A_596 = vector.broadcast %jit3A_594 : i32 to vector<16xi32>
      %select_n3A_597 = arith.select %eq3A_592, %broadcast_in_dim3A_595, %broadcast_in_dim3A_596 : vector<16xi1>, vector<16xi32>
      %min3A_598 = arith.minsi %min3A_587, %select_n3A_597 : vector<16xi32>
      %add3A_599 = arith.constant 240 : i32
      %add3A_600 = arith.addi %mul3A_431, %add3A_599 : i32
      %get3A_601 = arith.index_cast %add3A_600 : i32 to index
      %get3A_602 = tpu.vector_load %arg5[%get3A_601] {strides = array<i32>} : memref<32768xf32, #tpu.memory_space<vmem>>, vector<16xf32>,
      %eq3A_603 = arith.cmpf oeq, %get3A_602, %max3A_395 : vector<16xf32>
      %jit3A_604 = arith.constant 15 : i32
      %jit3A_605 = arith.constant 1048576 : i32
      %broadcast_in_dim3A_606 = vector.broadcast %jit3A_604 : i32 to vector<16xi32>
      %broadcast_in_dim3A_607 = vector.broadcast %jit3A_605 : i32 to vector<16xi32>
      %select_n3A_608 = arith.select %eq3A_603, %broadcast_in_dim3A_606, %broadcast_in_dim3A_607 : vector<16xi1>, vector<16xi32>
      %min3A_609 = arith.minsi %min3A_598, %select_n3A_608 : vector<16xi32>
      %mul3A_610 = arith.constant 16 : i32
      %mul3A_611 = vector.broadcast %mul3A_610 : i32 to vector<16xi32>
      %mul3A_612 = arith.muli %min3A_427, %mul3A_611 : vector<16xi32>
      %add3A_613 = arith.addi %mul3A_612, %min3A_609 : vector<16xi32>
      %mul3A_614 = arith.constant 16 : i32
      %mul3A_615 = vector.broadcast %mul3A_614 : i32 to vector<16xi32>
      %mul3A_616 = arith.muli %add3A_613, %mul3A_615 : vector<16xi32>
      %add3A_617 = arith.addi %mul3A_616, %iota3A : vector<16xi32>
      %lt3A_618 = arith.constant 1048576 : i32
      %lt3A_619 = vector.broadcast %lt3A_618 : i32 to vector<16xi32>
      %lt3A_620 = arith.cmpi slt, %min3A_609, %lt3A_619 : vector<16xi32>
      %jit3A_621 = arith.constant 2147483647 : i32
      %broadcast_in_dim3A_622 = vector.broadcast %jit3A_621 : i32 to vector<16xi32>
      %select_n3A_623 = arith.select %lt3A_620, %add3A_617, %broadcast_in_dim3A_622 : vector<16xi1>, vector<16xi32>
      %swap3A_624 = arith.constant 0 : index
      %swap3A_625 = tpu.vector_load %arg8[%swap3A_624] {strides = array<i32>} : memref<16xi32, #tpu.memory_space<vmem>>, vector<16xi32>,
      tpu.vector_store %arg8[%swap3A_624], %select_n3A_623 {strides = array<i32>} : memref<16xi32, #tpu.memory_space<vmem>>, vector<16xi32>,
      %xor3A_626 = arith.constant 1 : i32
      %xor3A_627 = vector.broadcast %xor3A_626 : i32 to vector<16xi32>
      %xor3A_628 = arith.xori %iota3A, %xor3A_627 : vector<16xi32>
      %gather3A_629 = tpu.vector_load_idx %arg8[%xor3A_628] : memref<16xi32, #tpu.memory_space<vmem>>[vector<16xi32>], vector<16xi32>,
      %min3A_630 = arith.minsi %select_n3A_623, %gather3A_629 : vector<16xi32>
      %swap3A_631 = arith.constant 0 : index
      %swap3A_632 = tpu.vector_load %arg8[%swap3A_631] {strides = array<i32>} : memref<16xi32, #tpu.memory_space<vmem>>, vector<16xi32>,
      tpu.vector_store %arg8[%swap3A_631], %min3A_630 {strides = array<i32>} : memref<16xi32, #tpu.memory_space<vmem>>, vector<16xi32>,
      %xor3A_633 = arith.constant 2 : i32
      %xor3A_634 = vector.broadcast %xor3A_633 : i32 to vector<16xi32>
      %xor3A_635 = arith.xori %iota3A, %xor3A_634 : vector<16xi32>
      %gather3A_636 = tpu.vector_load_idx %arg8[%xor3A_635] : memref<16xi32, #tpu.memory_space<vmem>>[vector<16xi32>], vector<16xi32>,
      %min3A_637 = arith.minsi %min3A_630, %gather3A_636 : vector<16xi32>
      %swap3A_638 = arith.constant 0 : index
      %swap3A_639 = tpu.vector_load %arg8[%swap3A_638] {strides = array<i32>} : memref<16xi32, #tpu.memory_space<vmem>>, vector<16xi32>,
      tpu.vector_store %arg8[%swap3A_638], %min3A_637 {strides = array<i32>} : memref<16xi32, #tpu.memory_space<vmem>>, vector<16xi32>,
      %xor3A_640 = arith.constant 4 : i32
      %xor3A_641 = vector.broadcast %xor3A_640 : i32 to vector<16xi32>
      %xor3A_642 = arith.xori %iota3A, %xor3A_641 : vector<16xi32>
      %gather3A_643 = tpu.vector_load_idx %arg8[%xor3A_642] : memref<16xi32, #tpu.memory_space<vmem>>[vector<16xi32>], vector<16xi32>,
      %min3A_644 = arith.minsi %min3A_637, %gather3A_643 : vector<16xi32>
      %swap3A_645 = arith.constant 0 : index
      %swap3A_646 = tpu.vector_load %arg8[%swap3A_645] {strides = array<i32>} : memref<16xi32, #tpu.memory_space<vmem>>, vector<16xi32>,
      tpu.vector_store %arg8[%swap3A_645], %min3A_644 {strides = array<i32>} : memref<16xi32, #tpu.memory_space<vmem>>, vector<16xi32>,
      %xor3A_647 = arith.constant 8 : i32
      %xor3A_648 = vector.broadcast %xor3A_647 : i32 to vector<16xi32>
      %xor3A_649 = arith.xori %iota3A, %xor3A_648 : vector<16xi32>
      %gather3A_650 = tpu.vector_load_idx %arg8[%xor3A_649] : memref<16xi32, #tpu.memory_space<vmem>>[vector<16xi32>], vector<16xi32>,
      %min3A_651 = arith.minsi %min3A_644, %gather3A_650 : vector<16xi32>
      %jit3A_652 = arith.constant 16 : i32
      %div3A_653 = arith.divsi %add3A_357, %jit3A_652 : i32
      %sign3A_654 = arith.constant 0 : i32
      %sign3A_655 = arith.cmpi sgt, %add3A_357, %sign3A_654 : i32
      %sign3A_656 = arith.extui %sign3A_655 : i1 to i32
      %sign3A_657 = arith.constant 0 : i32
      %sign3A_658 = arith.cmpi slt, %add3A_357, %sign3A_657 : i32
      %sign3A_659 = arith.extui %sign3A_658 : i1 to i32
      %sign3A_660 = arith.subi %sign3A_656, %sign3A_659 : i32
      %sign3A_661 = arith.constant 0 : i32
      %sign3A_662 = arith.cmpi sgt, %jit3A_652, %sign3A_661 : i32
      %sign3A_663 = arith.extui %sign3A_662 : i1 to i32
      %sign3A_664 = arith.constant 0 : i32
      %sign3A_665 = arith.cmpi slt, %jit3A_652, %sign3A_664 : i32
      %sign3A_666 = arith.extui %sign3A_665 : i1 to i32
      %sign3A_667 = arith.subi %sign3A_663, %sign3A_666 : i32
      %ne3A_668 = arith.cmpi ne, %sign3A_660, %sign3A_667 : i32
      %rem3A_669 = arith.remsi %add3A_357, %jit3A_652 : i32
      %ne3A_670 = arith.constant 0 : i32
      %ne3A_671 = arith.cmpi ne, %rem3A_669, %ne3A_670 : i32
      %and3A_672 = arith.andi %ne3A_668, %ne3A_671 : i1
      %sub3A_673 = arith.constant 1 : i32
      %sub3A_674 = arith.subi %div3A_653, %sub3A_673 : i32
      %select_n3A_675 = arith.select %and3A_672, %sub3A_674, %div3A_653 : i32
      %mul3A_676 = arith.constant 16 : i32
      %mul3A_677 = arith.muli %select_n3A_675, %mul3A_676 : i32
      %get3A_678 = arith.index_cast %mul3A_677 : i32 to index
      %get3A_679 = tpu.vector_load %arg6[%get3A_678] {strides = array<i32>} : memref<16xi32, #tpu.memory_space<vmem>>, vector<16xi32>,
      %sub3A_680 = arith.subi %add3A_357, %mul3A_677 : i32
      %eq3A_681 = vector.broadcast %sub3A_680 : i32 to vector<16xi32>
      %eq3A_682 = arith.cmpi eq, %iota3A, %eq3A_681 : vector<16xi32>
      %select_n3A_683 = arith.select %eq3A_682, %min3A_651, %get3A_679 : vector<16xi1>, vector<16xi32>
      %swap3A_684 = arith.index_cast %mul3A_677 : i32 to index
      %swap3A_685 = tpu.vector_load %arg6[%swap3A_684] {strides = array<i32>} : memref<16xi32, #tpu.memory_space<vmem>>, vector<16xi32>,
      tpu.vector_store %arg6[%swap3A_684], %select_n3A_683 {strides = array<i32>} : memref<16xi32, #tpu.memory_space<vmem>>, vector<16xi32>,
      %scan3A_686 = arith.constant 0 : i32
      scf.yield %scan3A_686 : i32
    }
    %scan3A_13 = arith.constant 7 : i32
    %mul3A_14 = arith.constant 16 : i32
    %mul3A_15 = arith.muli %add3A, %mul3A_14 : i32
    "tpu.region"() ({
      %run_scoped3A = tpu.sem_alloc : memref<!tpu.dma_semaphore, #tpu.memory_space<semaphore_mem>>
      %dma_start3A_16 = tpu.memref_slice %arg3[%mul3A_15] : memref<512xi32, #tpu.memory_space<hbm>> -> memref<16xi32, #tpu.memory_space<hbm>>
      %dma_start3A_17 = tpu.memref_slice %arg3[%mul3A_15] : memref<512xi32, #tpu.memory_space<hbm>> -> memref<16xi32, #tpu.memory_space<hbm>>
      tpu.enqueue_dma source(%arg6 : memref<16xi32, #tpu.memory_space<vmem>>) target(%dma_start3A_17 : memref<16xi32, #tpu.memory_space<hbm>>) target_semaphore(%run_scoped3A : memref<!tpu.dma_semaphore, #tpu.memory_space<semaphore_mem>>)
      %dma_wait3A = tpu.memref_slice %arg3[%mul3A_15] : memref<512xi32, #tpu.memory_space<hbm>> -> memref<16xi32, #tpu.memory_space<hbm>>
      %dma_wait3A_18 = tpu.memref_slice %arg3[%mul3A_15] : memref<512xi32, #tpu.memory_space<hbm>> -> memref<16xi32, #tpu.memory_space<hbm>>
      tpu.wait_dma2 semaphore(%run_scoped3A : memref<!tpu.dma_semaphore, #tpu.memory_space<semaphore_mem>>) src(%arg6 : memref<16xi32, #tpu.memory_space<vmem>>) dst(%dma_wait3A_18 : memref<16xi32, #tpu.memory_space<hbm>>)
      tpu.yield
    }) : () -> ()
    return
  }
}

module attributes {stable_mosaic.version = 14 : i64} {
  func.func @_tc_body(%arg0: i32, %arg1: memref<64x32768xf32, #tpu.memory_space<vmem>>, %arg2: memref<64x1xi32, #tpu.memory_space<vmem>>) attributes {dimension_semantics = [#tpu.dimension_semantics<arbitrary>], iteration_bounds = array<i64: 9>, scalar_prefetch = 0 : i64, scratch_operands = 0 : i64, tpu.core_type = #tpu.core_type<tc>, window_params = [{transform_indices = @transform_0, window_bounds = array<i64: 64, 32768>}, {transform_indices = @transform_1, window_bounds = array<i64: 64, 1>}]} {
    %get3A = arith.constant 0 : index
    %get3A_0 = arith.constant 0 : index
    %get3A_1 = vector.load %arg1[%get3A, %get3A_0] : memref<64x32768xf32, #tpu.memory_space<vmem>>, vector<64x32768xf32>
    %reduce_max3A = arith.constant dense<0xFF800000> : vector<64xf32>
    %reduce_max3A_2 = vector.multi_reduction <maximumf>, %get3A_1, %reduce_max3A [1] : vector<64x32768xf32> to vector<64xf32>
    %broadcast_in_dim3A = vector.shape_cast %reduce_max3A_2 : vector<64xf32> to vector<64x1xf32>
    %iota3A = tpu.iota {dimensions = array<i32: 1>} : vector<64x32768xi32>
    %eq3A = vector.broadcast %broadcast_in_dim3A : vector<64x1xf32> to vector<64x32768xf32>
    %eq3A_3 = arith.cmpf oeq, %get3A_1, %eq3A : vector<64x32768xf32>
    %jit3A = arith.constant 2147483647 : i32
    %broadcast_in_dim3A_4 = vector.broadcast %jit3A : i32 to vector<64x32768xi32>
    %select_n3A = arith.select %eq3A_3, %iota3A, %broadcast_in_dim3A_4 : vector<64x32768xi1>, vector<64x32768xi32>
    %reduce_min3A = arith.constant dense<2147483647> : vector<64xi32>
    %reduce_min3A_5 = vector.multi_reduction <minsi>, %select_n3A, %reduce_min3A [1] : vector<64x32768xi32> to vector<64xi32>
    %broadcast_in_dim3A_6 = vector.shape_cast %reduce_min3A_5 : vector<64xi32> to vector<64x1xi32>
    %swap3A = arith.constant 0 : index
    %swap3A_7 = arith.constant 0 : index
    %swap3A_8 = vector.load %arg2[%swap3A, %swap3A_7] : memref<64x1xi32, #tpu.memory_space<vmem>>, vector<64x1xi32>
    tpu.vector_store %arg2[%swap3A, %swap3A_7], %broadcast_in_dim3A_6 {strides = array<i32>} : memref<64x1xi32, #tpu.memory_space<vmem>>, vector<64x1xi32>,
    return
  }
  func.func @transform_0(%arg0: i32) -> (i32, i32) {
    %add3A = arith.constant 7 : i32
    %add3A_0 = arith.addi %arg0, %add3A : i32
    %c0_i32 = arith.constant 0 : i32
    %c0_i32_1 = arith.constant 0 : i32
    return %add3A_0, %c0_i32 : i32, i32
  }
  func.func @transform_1(%arg0: i32) -> (i32, i32) {
    %c0_i32 = arith.constant 0 : i32
    %c0_i32_0 = arith.constant 0 : i32
    return %arg0, %c0_i32 : i32, i32
  }
}

</mosaic_0001>

<sc_bundles>
// kernel: _argmax_rows.4.cloned.1.call-start
scs
__scs_entry_jumppad:
0x0: {  	(pc) =	sbr.rel $0x88, $3  }
0x1: {  	(tag) =	ssettag $0x0;
	lr =	simm.s32 $0x1  }
0x2: {  	[smem:$0x3FA0] =	sst lr;
	_ =	strace $0xD0000000  }
0x3: {  	_ = 	snop  }
0x4: {  	_ = 	snop  }
0x5: {  	_ = 	snop  }
0x6: {  	_ = 	snop  }
0x7: {  	_ = 	snop  }
__scs_overlays_trampoline_lowered:
0x8: {  	[smem:$0x3FAF] =	sst s0  }
0x9: {  	[smem:$0x3FB0] =	sst s1  }
0xa: {  	[smem:$0x3FB1] =	sst s2  }
0xb: {  	[smem:$0x3FB2] =	sst s3  }
0xc: {  	[smem:$0x3FB3] =	sst s4  }
0xd: {  	[smem:$0x3FB4] =	sst s5  }
0xe: {  	[smem:$0x3FB5] =	sst s6  }
0xf: {  	[smem:$0x3FB6] =	sst s7  }
0x10: {  	[smem:$0x3FB7] =	sst s8  }
0x11: {  	[smem:$0x3FB8] =	sst s9;
	s0 =	simm.s32 @!p0 $0x0  }
0x12: {  	s1 =	sld [smem:$0x3F9E];
	s0 =	simm.s32 @p0 $0x1  }
0x13: {  	[smem:$0x3FB9] =	sst s0;
	s0 =	simm.s32 @!p1 $0x0  }
0x14: {  	s2 =	sld [smem:$0x3F9D];
	s0 =	simm.s32 @p1 $0x1  }
0x15: {  	[smem:$0x3FBA] =	sst s0;
	s0 =	simm.s32 @!p2 $0x0  }
0x16: {  	s3 =	sld [smem:$0x3FDB];
	s0 =	simm.s32 @p2 $0x1  }
0x17: {  	s4 =	simm.s32 $0x1BF5;
	[smem:$0x3FBC] =	sst s0  }
0x18: {  	s0 =	sld [smem:$0x3F9F];
	_ =	swait.ge [sflag:s4], $0x0  }
0x19: {  	s7 =	sld [smem:$0x3FA0]  }
0x1a: {  	s8 =	sadd.s32 $0xFFFFE003, lr  }
0x1b: {  	s9 =	sadd.s32 $0xFFFFFEF7, lr;
	s5 =	simm.s32 $0xFFFFFFFF;
	p2 =	slt.u32 s8, $0xFFFFF086  }
0x1c: {  	p1 =	slt.u32 s9, $0xF7A;
	s5 =	simm.s32 @!p2 $0x0  }
0x1d: {  	s5 =	simm.s32 @p1 $0x1;
	p0 =	seq.s32 s7, s2  }
0x1e: {  	s7 =	smul.u32 @!p0 $0xF7A, s2;
	p2 =	seq.s32 @!p0 s5, $0x0  }
0x1f: {  	s9 =	smul.u32 $0xF7A, s1;
	s8 =	simm.s32 @!p0 $0x1BF5;
	p2 =	por !p2, p0  }
0x20: {  	[sflag:s8] =	ssyncset.s32 @!p0 $0xFFFFF086;
	s6 =	sadd.s32 @!p0 s3, s7;
	s7 =	simm.s32 @!p0 $0x108  }
0x21: {  	s3 =	sadd.s32 s3, s9;
	s6 =	sadd.s32 @!p0 $0x88, s6;
	s7 =	simm.s32 @p2 $0x1082  }
0x22: {  	[simem:s7], [sflag:s8] =	dma.local @!p0 [hbm:s6], $0xF7A  }
0x23: {  	s9 =	sor.u32 $0xD0000000, s2;
	s6 =	simm.s32 $0x108;
	_ =	swait.ge @!p0 [sflag:s8], $0x0  }
0x24: {  	s3 =	sadd.s32 $0x88, s3;
	s6 =	simm.s32 @!p1 $0x1082;
	[sflag:s4] =	ssyncset.s32 $0xFFFFF086  }
0x25: {  	[simem:s6], [sflag:s4] =	dma.local [hbm:s3], $0xF7A  }
0x26: {  	[smem:$0x3FA0] =	sst s1;
	(tag) =	ssettag s2;
	_ =	strace s9  }
0x27: {  	s1 =	sld [smem:$0x3FB0]  }
0x28: {  	s2 =	sld [smem:$0x3FB1]  }
0x29: {  	s4 =	sld [smem:$0x3FB3]  }
0x2a: {  	p0 =	seq.s32 s5, $0x0;
	s5 =	sld [smem:$0x3FB4]  }
0x2b: {  	s6 =	sld [smem:$0x3FB5]  }
0x2c: {  	s7 =	sld [smem:$0x3FB6]  }
0x2d: {  	s3 =	simm.s32 $0x108;
	s8 =	sld [smem:$0x3FB7]  }
0x2e: {  	s3 =	simm.s32 @!p0 $0x1082;
	s9 =	sld [smem:$0x3FB8]  }
0x2f: {  	lr =	sadd.s32 s0, s3;
	s0 =	sld [smem:$0x3FAF]  }
0x30: {  	s3 =	sld [smem:$0x3FB2]  }
0x31: {  	[smem:$0x3FBB] =	sst s10  }
0x32: {  	s10 =	sld [smem:$0x3FB9];
	_ =	sdelay $0x3  }
0x33: {  	p0 =	seq.s32 s10, $0x1;
	s10 =	sld [smem:$0x3FBB];
	_ =	sdelay $0x3  }
0x34: {  	[smem:$0x3FBB] =	sst s10  }
0x35: {  	s10 =	sld [smem:$0x3FBA];
	_ =	sdelay $0x3  }
0x36: {  	p1 =	seq.s32 s10, $0x1;
	s10 =	sld [smem:$0x3FBB];
	_ =	sdelay $0x3  }
0x37: {  	[smem:$0x3FBB] =	sst s10  }
0x38: {  	s10 =	sld [smem:$0x3FBC]  }
0x39: {  	_ = 	snop;
	(pc) =	sbr.ind lr, $3  }
0x3a: {  	_ = 	snop  }
0x3b: {  	_ = 	snop  }
0x3c: {  	p2 =	seq.s32 s10, $0x1;
	s10 =	sld [smem:$0x3FBB]  }
0x3d: {  	_ =	shalt  }
0x3e: {  	_ =	shalt  }
0x3f: {  	_ =	shalt  }
0x40: {  	_ =	shalt  }
0x41: {  	_ =	shalt  }
0x42: {  	_ =	shalt  }
0x43: {  	_ =	shalt  }
0x44: {  	_ =	shalt  }
0x45: {  	_ =	shalt  }
0x46: {  	_ =	shalt  }
0x47: {  	_ =	shalt  }
0x48: {  	_ =	shalt  }
0x49: {  	_ =	shalt  }
0x4a: {  	_ =	shalt  }
0x4b: {  	_ =	shalt  }
0x4c: {  	_ =	shalt  }
0x4d: {  	_ =	shalt  }
0x4e: {  	_ =	shalt  }
0x4f: {  	_ =	shalt  }
0x50: {  	_ =	shalt  }
0x51: {  	_ =	shalt  }
0x52: {  	_ =	shalt  }
0x53: {  	_ =	shalt  }
0x54: {  	_ =	shalt  }
0x55: {  	_ =	shalt  }
0x56: {  	_ =	shalt  }
0x57: {  	_ =	shalt  }
0x58: {  	_ =	shalt  }
0x59: {  	_ =	shalt  }
0x5a: {  	_ =	shalt  }
0x5b: {  	_ =	shalt  }
0x5c: {  	_ =	shalt  }
0x5d: {  	_ =	shalt  }
0x5e: {  	_ =	shalt  }
0x5f: {  	_ =	shalt  }
0x60: {  	_ =	shalt  }
0x61: {  	_ =	shalt  }
0x62: {  	_ =	shalt  }
0x63: {  	_ =	shalt  }
0x64: {  	_ =	shalt  }
0x65: {  	_ =	shalt  }
0x66: {  	_ =	shalt  }
0x67: {  	_ =	shalt  }
0x68: {  	_ =	shalt  }
0x69: {  	_ =	shalt  }
0x6a: {  	_ =	shalt  }
0x6b: {  	_ =	shalt  }
0x6c: {  	_ =	shalt  }
0x6d: {  	_ =	shalt  }
0x6e: {  	_ =	shalt  }
0x6f: {  	_ =	shalt  }
0x70: {  	_ =	shalt  }
0x71: {  	_ =	shalt  }
0x72: {  	_ =	shalt  }
0x73: {  	_ =	shalt  }
0x74: {  	_ =	shalt  }
0x75: {  	_ =	shalt  }
0x76: {  	_ =	shalt  }
0x77: {  	_ =	shalt  }
0x78: {  	_ =	shalt  }
0x79: {  	_ =	shalt  }
0x7a: {  	_ =	shalt  }
0x7b: {  	_ =	shalt  }
0x7c: {  	_ =	shalt  }
0x7d: {  	_ =	shalt  }
0x7e: {  	_ =	shalt  }
0x7f: {  	_ =	shalt  }
0x80: {  	_ =	shalt  }
0x81: {  	_ =	shalt  }
0x82: {  	_ =	shalt  }
0x83: {  	_ =	shalt  }
0x84: {  	_ =	shalt  }
0x85: {  	_ =	shalt  }
0x86: {  	_ =	shalt  }
0x87: {  	_ =	shalt  }
.Lfunc_end0:
.L_simem_size_0:
called_computation_lowered:
.L_overlay_start_0:
0x88: {  	s2 =	sld [smem:$0x3FD9]  }
0x89: {  	s3 =	sld [smem:$0x3FFE];
	_ =	sdelay $0x1  }
0x8a: {  	s1 =	srdreg.scid  }
0x8b: {  	s0 =	sand.u32 $0x1, s1  }
0x8c: {  	s18 =	sshll.u32 s0, $0xA;
	s2 =	sadd.s32 s3, s2  }
0x8d: {  	s2 =	sadd.s32 s2, s18  }
0x8e: {  	[smem:$0x3FC7] =	sst s2  }
0x8f: {  	_ = 	snop  }
0x90: {  	s2 =	sld [smem:$0x3FC9]  }
0x91: {  	s19 =	sld [smem:$0x3FD0];
	(tm) =	ssettm $0x1  }
0x92: {  	s4 =	sld [smem:$0x3FFB];
	_ =	sdelay $0x3  }
0x93: {  	_ =	strace s4  }
0x94: {  	s4 =	sld [smem:$0x3FFC];
	_ =	sdelay $0x3  }
0x95: {  	_ =	strace s4  }
0x96: {  	s4 =	sld [smem:$0x3FFD];
	_ =	sdelay $0x3  }
0x97: {  	_ =	strace s4  }
0x98: {  	_ =	strace $0x8FFFFFFF  }
0x99: {  	s20 =	sld [smem:$0x3FDB];
	_ =	sdelay $0x1  }
0x9a: {  	s5 =	simm.s32 $_scs_section_size  }
0x9b: {  	s6 =	simm.s32 $_size__tile_overlayer_lowered;
	s7 =	simm.s32 $_tile_overlayer_lowered  }
0x9c: {  	s23 =	simm.s32 $0x1BFF;
	s22 =	sshll.u32 s7, $0x1;
	s4 =	sadd.s32 s5, s20  }
0x9d: {  	s8 =	simm.s32 $0x0;
	s21 =	sshll.u32 s6, $0x1;
	s6 =	sadd.s32 s22, s4  }
0x9e: {  	[timem:s8], [sflag:s23] =	dma.local [hbm:s6], s21  }
0x9f: {  	_ =	swait.ge [sflag:s23], s21  }
0xa0: {  	s5 =	ssub.s32 $0x0, s21;
	[sflag:s23] =	ssyncset.done $0x0  }
0xa1: {  	[sflag:s23] =	ssyncadd.s32 s5;
	_ =	sdelay $0x1  }
0xa2: {  	s24 =	simm.s32 $0x1B8B  }
0xa3: {  	_ =	swait.ge [sflag:s24], $0x1  }
0xa4: {  	[sflag:s24] =	ssyncset.done $0x0  }
0xa5: {  	s25 =	simm.s32 $0x1B8E;
	[sflag:s24] =	ssyncadd.s32 $0xFFFFFFFF  }
0xa6: {  	s26 =	simm.s32 $execute0_lowered;
	[smem:$0x3FD2] =	sst s25  }
0xa7: {  	s5 =	sshll.u32 s26, $0x1;
	_ =	strace $0x80000046;
	[dreg:$0x1] =	wrdreg $0xFFFFFFFF  }
0xa8: {  	s28 =	simm.s32 $_size_execute0_lowered;
	s4 =	sadd.s32 s4, s5;
	[dreg:$0x0] =	wrdreg $0x0  }
0xa9: {  	s5 =	sshll.u32 s28, $0x1;
	[dreg:$0x2] =	wrdreg s4  }
0xaa: {  	[dreg:$0x3] =	wrdreg s5  }
0xab: {  	[dreg:$0x4] =	wrdreg $0xC0  }
0xac: {  	_ =	task [dreg:s8], $0x5FFFF  }
0xad: {  	[dreg:$0x1] =	wrdreg $0xFFFFFFFF  }
0xae: {  	[dreg:$0x0] =	wrdreg $0x60  }
0xaf: {  	[dreg:$0x2] =	wrdreg s2  }
0xb0: {  	[dreg:$0x3] =	wrdreg s19  }
0xb1: {  	[dreg:$0x4] =	wrdreg $0x9  }
0xb2: {  	_ =	task.clear_ibuf [dreg:s8], $0x5FFFF;
	_ =	strace $0x90000046  }
0xb3: {  	s29 =	simm.s32 $0x9;
	_ =	strace $0x80000048  }
0xb4: {  	_ =	swait.ge [sflag:s29], $0x1  }
0xb5: {  	[sflag:s29] =	ssyncadd.s32 $0xFFFFFFFF  }
0xb6: {  	_ =	strace $0x90000048  }
0xb7: {  	_ =	sfence  }
0xb8: {  	s30 =	sld [smem:$0x0];
	_ =	sdelay $0x2  }
0xb9: {  	s31 =	sshll.u32 s1, $0xD;
	s1 =	sshrl.u32 s1, $0x2  }
0xba: {  	s3 =	sand.u32 $0x4000, s31;
	s1 =	sadd.s32 s1, s30  }
0xbb: {  	s0 =	sor.u32 s3, s0;
	s1 =	sshll.u32 s1, $0x11  }
0xbc: {  	s0 =	sor.u32 s1, s0  }
0xbd: {  	s0 =	sadd.s32 $0x8F2B, s0  }
0xbe: {  	[sflag:s0] =	ssyncadd.remote.s32 $0x1  }
0xbf: {  	_ =	sfence.sel $0xFFFF  }
0xc0: {  	[dreg:$0x0] =	wrdreg $0xFFFFFFFF;
	(pc) =	sbr.abs _section_cstart, $3  }
0xc1: {  	[dreg:$0x1] =	wrdreg $0xFFFFFFFF  }
0xc2: {  	_ =	task.clear_ibuf [dreg:s8], $0x2FFFF;
	_ =	strace $0x9FFFFFFF  }
0xc3: {  	(tm) =	ssettm $0x7FFFFFFF  }
tec
execute0_lowered:
.L_overlay_start_1:
0x0: {  	(tag) =	ssettag $0x1  }
0x1: {  	v0 =	vimm.s32 $0xEFCDAB89;
	v1 =	vimm.s32 $0x67452301  }
0x2: {  	v2 =	vimm.s32 $0xDCFE98BA;
	v3 =	vimm.s32 $0x54761032;
	v4 =	vimm.s32 $0xBA98FEDC  }
0x3: {  	s1 =	srdreg.scid;
	s7 =	rddreg [dreg:$0x1];
	v5 =	vimm.s32 $0x32107654;
	v6 =	vimm.s32 $0xFEDCBA98;
	v7 =	vimm.s32 $0x76543210  }
0x4: {  	s0 =	stileid.u32;
	s2 =	rddreg [dreg:$0x2];
	v0 =	vunpack.c.l.s4.s8 v0;
	v1 =	vunpack.c.l.s4.s8 v1;
	v2 =	vunpack.c.l.s4.s8 v2  }
0x5: {  	s3 =	simm.s32 $0x0;
	s9 =	simm.s32 $0x400;
	s10 =	simm.s32 $0x8000;
	v3 =	vunpack.c.l.s4.s8 v3;
	v4 =	vunpack.c.l.s4.s8 v4;
	v5 =	vunpack.c.l.s4.s8 v5  }
0x6: {  	s11 =	simm.s32 $0x1;
	s4 =	sand.u32 $0x1, s1;
	s30 =	sshll.u32 s0, $0x1;
	v6 =	vunpack.c.l.s4.s8 v6;
	v0 =	vunpack.c.0.s8.s32 v0;
	v1 =	vunpack.c.0.s8.s32 v1  }
0x7: {  	s12 =	simm.s32 $0x10080;
	s13 =	simm.s32 $0x10100;
	v56 =	vunpack.c.l.s4.s8 v7;
	s6 =	sor.u32 s4, s30;
	v2 =	vunpack.c.0.s8.s32 v2;
	v3 =	vunpack.c.0.s8.s32 v3  }
0x8: {  	s14 =	simm.s32 $0x2;
	s15 =	simm.s32 $0x10000;
	s5 =	smul.u32 $0x70000, s6;
	v4 =	vunpack.c.0.s8.s32 v4;
	v5 =	vunpack.c.0.s8.s32 v5;
	v0 =	vcombine.low v1, v0  }
0x9: {  	s1 =	rddreg [dreg:$0x0];
	s4 =	ssub.s32 $0x2, s4;
	s8 =	smul.u32 $0x300, s6;
	v58 =	vunpack.c.0.s8.s32 v6;
	v2 =	vcombine.low v3, v2  }
0xa: {  	s16 =	simm.s32 $0x3;
	[smem:$0x7FF] =	sst s3;
	s31 =	sshrl.u32 s4, $0x1;
	v59 =	vunpack.c.0.s8.s32 v56;
	v57 =	vcombine.low v5, v4;
	v0 =	vand.u32 $0xF, v0  }
0xb: {  	_ =	strace $0x80000047;
	s5 =	sor.u32 s8, s5;
	s8 =	ssub.s32 s4, s31;
	v62 =	vand.u32 $0xF, v58;
	v60 =	vand.u32 $0xF, v2;
	[tilespmem:$0x1FFC0] =	vst v0  }
0xc: {  	s4 =	smul.u32 $0xE, s6;
	s6 =	sshll.u32 s6, $0x1;
	s5 =	sand.u32 $0xFC0300, s5;
	v63 =	vcombine.low v62, v59;
	v61 =	vand.u32 $0xF, v57;
	[tilespmem:$0x1FFD0] =	vst v60  }
0xd: {  	s17 =	simm.s32 $0x0;
	s6 =	sadd.s32 s7, s6;
	s5 =	sshrl.u32 s5, $0x3;
	[tilespmem:$0x1FFE0] =	vst v61  }
0xe: {  	s7 =	smax.u32 s8, $0x1;
	s8 =	simm.s32 $0x80;
	s5 =	sadd.s32 s1, s5;
	[tilespmem:$0x1FFF0] =	vst v63  }
.LBB2_1:
0xf: {  	[tilespmem:s3], [sflag:$0x1] =	stream.strided.gather [hbm4b:s5+s8], $0x8000, s9, s8, $0x38;
	[tilespmem:$0x10180] =	vst v63  }
0x10: {  	s18 =	simm.s32 $0x0  }
.LBB2_2:
0x11: {  	s19 =	sshll.u32 s18, $0x1  }
0x12: {  	s20 =	sadd.s32 s4, s19  }
0x13: {  	s21 =	sshll.u32 s20, $0xC  }
0x14: {  	s22 =	sshll.u32 s20, $0x4;
	s21 =	sand.u32 $0xFFF8000, s21  }
0x15: {  	s22 =	sand.u32 $0x60, s22;
	s21 =	sadd.s32 s1, s21  }
0x16: {  	s21 =	sadd.s32 s22, s21  }
0x17: {  	s21 =	sadd.s32 $0x10, s21  }
0x18: {  	[tilespmem:s10], [sflag:$0x2] =	stream.strided.gather [hbm4b:s21+s8], $0x8000, s9, s8, $0x38;
	[tilespmem:$0x10180] =	vst v63  }
0x19: {  	_ =	swait.ge [sflag:s11], $0x8000  }
0x1a: {  	[sflag:s11] =	ssyncset.done $0x0  }
0x1b: {  	s31 =	simm.s32 $0x200;
	[sflag:s11] =	ssyncadd.s32 $0xFFFF8000  }
0x1c: {  	v2 =	vld [tilespmem:s31+$0x100]  }
0x1d: {  	v9 =	vld [tilespmem:s31+$0x110]  }
0x1e: {  	v10 =	vld [tilespmem:s31+$0x120]  }
0x1f: {  	v11 =	vld [tilespmem:s31+$0x130]  }
0x20: {  	v12 =	vld [tilespmem:s31+$0x140]  }
0x21: {  	v13 =	vld [tilespmem:s31+$0x150]  }
0x22: {  	v14 =	vld [tilespmem:s31+$0x160]  }
0x23: {  	v15 =	vld [tilespmem:s31+$0x170]  }
0x24: {  	v16 =	vld [tilespmem:s31+$0x180]  }
0x25: {  	v20 =	vld [tilespmem:s31+$0x190]  }
0x26: {  	v21 =	vld [tilespmem:s31+$0x1A0]  }
0x27: {  	v23 =	vld [tilespmem:s31+$0x1B0]  }
0x28: {  	v25 =	vld [tilespmem:s31+$0x1C0]  }
0x29: {  	v26 =	vld [tilespmem:s31+$0x1D0]  }
0x2a: {  	v27 =	vld [tilespmem:s31+$0x1E0]  }
0x2b: {  	v28 =	vld [tilespmem:s31+$0x1F0]  }
0x2c: {  	v29 =	vld [tilespmem:s31+$0x0]  }
0x2d: {  	v30 =	vld [tilespmem:s31+$0x10]  }
0x2e: {  	v31 =	vld [tilespmem:s31+$0x20]  }
0x2f: {  	v33 =	vld [tilespmem:s31+$0x30]  }
0x30: {  	v34 =	vld [tilespmem:s31+$0x40]  }
0x31: {  	v35 =	vld [tilespmem:s31+$0x50]  }
0x32: {  	v36 =	vld [tilespmem:s31+$0x60]  }
0x33: {  	v37 =	vld [tilespmem:s31+$0x70]  }
0x34: {  	v38 =	vld [tilespmem:s31+$0x80]  }
0x35: {  	v39 =	vld [tilespmem:s31+$0x90]  }
0x36: {  	v40 =	vld [tilespmem:s31+$0xA0]  }
0x37: {  	v41 =	vld [tilespmem:s31+$0xB0]  }
0x38: {  	v42 =	vld [tilespmem:s31+$0xC0]  }
0x39: {  	v43 =	vld [tilespmem:s31+$0xD0]  }
0x3a: {  	v44 =	vld [tilespmem:s31+$0xE0]  }
0x3b: {  	v45 =	vld [tilespmem:s31+$0xF0]  }
0x3c: {  	v46 =	vld [tilespmem:s31+$0xFFFFFF00]  }
0x3d: {  	v47 =	vld [tilespmem:s31+$0xFFFFFF10]  }
0x3e: {  	v48 =	vld [tilespmem:s31+$0xFFFFFF20]  }
0x3f: {  	v49 =	vld [tilespmem:s31+$0xFFFFFF30]  }
0x40: {  	v50 =	vld [tilespmem:s31+$0xFFFFFF40]  }
0x41: {  	v51 =	vld [tilespmem:s31+$0xFFFFFF50]  }
0x42: {  	v52 =	vld [tilespmem:s31+$0xFFFFFF60]  }
0x43: {  	v53 =	vld [tilespmem:s31+$0xFFFFFF70]  }
0x44: {  	v54 =	vld [tilespmem:s31+$0xFFFFFF80]  }
0x45: {  	v55 =	vld [tilespmem:s31+$0xFFFFFF90]  }
0x46: {  	v56 =	vld [tilespmem:s31+$0xFFFFFFA0]  }
0x47: {  	v57 =	vld [tilespmem:s31+$0xFFFFFFB0]  }
0x48: {  	v58 =	vld [tilespmem:s31+$0xFFFFFFC0]  }
0x49: {  	v59 =	vld [tilespmem:s31+$0xFFFFFFD0]  }
0x4a: {  	v60 =	vld [tilespmem:s31+$0xFFFFFFE0]  }
0x4b: {  	v61 =	vld [tilespmem:s31+$0xFFFFFFF0]  }
0x4c: {  	v62 =	vld [tilespmem:s31+$0xFFFFFE00]  }
0x4d: {  	v63 =	vld [tilespmem:s31+$0xFFFFFE10]  }
0x4e: {  	v4 =	vld [tilespmem:s31+$0xFFFFFE20]  }
0x4f: {  	v5 =	vld [tilespmem:s31+$0xFFFFFE30]  }
0x50: {  	v0 =	vld [tilespmem:s31+$0xFFFFFE40]  }
0x51: {  	v1 =	vld [tilespmem:s31+$0xFFFFFE50]  }
0x52: {  	v7 =	vimm.f32 $-Inf;
	v3 =	vimm.s32 $0x0;
	v18 =	vld [tilespmem:s31+$0xFFFFFE60]  }
0x53: {  	v19 =	vld [tilespmem:s31+$0xFFFFFE70];
	v17 =	vmax.f32 v2, v9;
	v10 =	vmax.f32 v10, v11;
	v13 =	vmax.f32 v12, v13  }
0x54: {  	v22 =	vld [tilespmem:s31+$0xFFFFFE80];
	v14 =	vmax.f32 v14, v15;
	v15 =	vmax.f32 v16, v20;
	v20 =	vmax.f32 v21, v23  }
0x55: {  	v24 =	vld [tilespmem:s31+$0xFFFFFE90];
	v21 =	vmax.f32 v29, v30;
	v11 =	vmax.f32 v25, v26;
	v12 =	vmax.f32 v27, v28  }
0x56: {  	v32 =	vld [tilespmem:s31+$0xFFFFFEA0];
	v27 =	vmax.f32 v31, v33;
	v28 =	vmax.f32 v34, v35;
	v33 =	vmax.f32 v36, v37  }
0x57: {  	v9 =	vld [tilespmem:s31+$0xFFFFFEB0];
	v35 =	vmax.f32 v38, v39;
	v36 =	vmax.f32 v40, v41;
	v16 =	vmax.f32 v42, v43  }
0x58: {  	v39 =	vld [tilespmem:s31+$0xFFFFFEC0];
	v37 =	vmax.f32 v46, v47;
	v38 =	vmax.f32 v48, v49;
	v25 =	vmax.f32 v44, v45  }
0x59: {  	v40 =	vld [tilespmem:s31+$0xFFFFFED0];
	v26 =	vmax.f32 v50, v51;
	v29 =	vmax.f32 v52, v53;
	v23 =	vmax.f32 v54, v55  }
0x5a: {  	v41 =	vld [tilespmem:s31+$0xFFFFFEE0];
	v30 =	vmax.f32 v56, v57;
	v31 =	vmax.f32 v58, v59;
	v34 =	vmax.f32 v60, v61  }
0x5b: {  	s23 =	simm.s32 $0x4;
	s22 =	simm.s32 $0x600;
	s21 =	simm.s32 $0x0;
	[tilespmem:$0x1FFB0] =	vst v3;
	v45 =	vld [tilespmem:s31+$0xFFFFFEF0];
	v43 =	vmax.f32 v62, v63;
	v44 =	vmax.f32 v4, v5;
	v42 =	vmax.f32 v0, v1  }
.LBB2_3:
0x5c: {  	v0 =	vld [tilespmem:s22+$0x100]  }
0x5d: {  	v17 =	vmax.f32 v17, v10;
	v10 =	vld [tilespmem:s22+$0x120]  }
0x5e: {  	v25 =	vmax.f32 v16, v25;
	v16 =	vld [tilespmem:s22+$0x180]  }
0x5f: {  	v2 =	vld [tilespmem:$0x1FFB0]  }
0x60: {  	v61 =	vmax.f32 v23, v30;
	v23 =	vld [tilespmem:s22+$0x1C0]  }
0x61: {  	v30 =	vld [tilespmem:s22+$0x40]  }
0x62: {  	v21 =	vmax.f32 v21, v27;
	v27 =	vmax.f32 v35, v36;
	v35 =	vld [tilespmem:s22+$0x80]  }
0x63: {  	v36 =	vld [tilespmem:s22+$0x90]  }
0x64: {  	v20 =	vmax.f32 v15, v20;
	v15 =	vmax.f32 v43, v44;
	v43 =	vld [tilespmem:s22+$0xD0]  }
0x65: {  	v44 =	vld [tilespmem:s22+$0xE0]  }
0x66: {  	v46 =	vld [tilespmem:s22+$0xF0]  }
0x67: {  	v47 =	vld [tilespmem:s22+$0xFFFFFF00]  }
0x68: {  	v48 =	vld [tilespmem:s22+$0xFFFFFF10]  }
0x69: {  	v49 =	vld [tilespmem:s22+$0xFFFFFF20]  }
0x6a: {  	v50 =	vld [tilespmem:s22+$0xFFFFFF30]  }
0x6b: {  	v51 =	vld [tilespmem:s22+$0xFFFFFF40]  }
0x6c: {  	v52 =	vld [tilespmem:s22+$0xFFFFFF50]  }
0x6d: {  	v53 =	vld [tilespmem:s22+$0xFFFFFF60]  }
0x6e: {  	v54 =	vld [tilespmem:s22+$0xFFFFFF70]  }
0x6f: {  	v55 =	vld [tilespmem:s22+$0xFFFFFF80]  }
0x70: {  	v56 =	vld [tilespmem:s22+$0xFFFFFF90]  }
0x71: {  	v57 =	vld [tilespmem:s22+$0xFFFFFFA0]  }
0x72: {  	v58 =	vld [tilespmem:s22+$0xFFFFFFB0]  }
0x73: {  	v59 =	vld [tilespmem:s22+$0xFFFFFFC0]  }
0x74: {  	v3 =	vld [tilespmem:s22+$0xFFFFFE20]  }
0x75: {  	v8 =	vld [tilespmem:s22+$0xFFFFFE50]  }
0x76: {  	v4 =	vmax.f32 v32, v9;
	v9 =	vld [tilespmem:s22+$0x110]  }
0x77: {  	v1 =	vmax.f32 v22, v24;
	v22 =	vmax.f32 v11, v12;
	v11 =	vld [tilespmem:s22+$0x130]  }
0x78: {  	v12 =	vld [tilespmem:s22+$0x140]  }
0x79: {  	v60 =	vmax.f32 v18, v19;
	v19 =	vmax.f32 v13, v14;
	v13 =	vld [tilespmem:s22+$0x150]  }
0x7a: {  	v14 =	vld [tilespmem:s22+$0x160]  }
0x7b: {  	v5 =	vmax.f32 v39, v40;
	v39 =	vld [tilespmem:s22+$0x190]  }
0x7c: {  	v24 =	vmax.f32 v28, v33;
	v33 =	vld [tilespmem:s22+$0x60]  }
0x7d: {  	v28 =	vmax.f32 v37, v38;
	v37 =	vld [tilespmem:s22+$0xA0]  }
0x7e: {  	v38 =	vld [tilespmem:s22+$0xB0]  }
0x7f: {  	v32 =	vld [tilespmem:s22+$0xFFFFFEA0]  }
0x80: {  	v40 =	vld [tilespmem:s22+$0xFFFFFED0]  }
0x81: {  	v18 =	vmax.f32 v41, v45;
	v41 =	vld [tilespmem:s22+$0xFFFFFEE0]  }
0x82: {  	v45 =	vld [tilespmem:s22+$0xFFFFFEF0]  }
0x83: {  	v1 =	vmax.f32 v1, v4;
	v4 =	vmax.f32 v5, v18;
	v18 =	vmax.f32 v27, v25;
	v25 =	vld [tilespmem:s22+$0x1D0]  }
0x84: {  	v27 =	vld [tilespmem:s22+$0x1F0]  }
0x85: {  	v5 =	vmax.f32 v31, v34;
	v31 =	vld [tilespmem:s22+$0x50]  }
0x86: {  	v34 =	vld [tilespmem:s22+$0x70]  }
0x87: {  	[tilespmem:$0x1FFA0] =	vst v0;
	v0 =	vmax.f32 v42, v60;
	v42 =	vld [tilespmem:s22+$0xC0]  }
0x88: {  	v60 =	vld [tilespmem:s22+$0xFFFFFFD0]  }
0x89: {  	v0 =	vmax.f32 v15, v0;
	v15 =	vld [tilespmem:s22+$0x170]  }
0x8a: {  	v1 =	vmax.f32 v1, v4;
	v4 =	vmax.f32 v26, v29;
	v26 =	vld [tilespmem:s22+$0x1E0]  }
0x8b: {  	v29 =	vld [tilespmem:s22+$0x30]  }
0x8c: {  	v4 =	vmax.f32 v28, v4;
	v28 =	vld [tilespmem:s22+$0x20]  }
0x8d: {  	v0 =	vmax.f32 v0, v1;
	v1 =	vmax.f32 v61, v5;
	v61 =	vld [tilespmem:s22+$0xFFFFFFE0]  }
0x8e: {  	v5 =	vld [tilespmem:s22+$0xFFFFFE30];
	vm0 =	vgt.f32 v0, v7  }
0x8f: {  	v1 =	vmax.f32 v4, v1;
	v4 =	vld [tilespmem:s22+$0x1A0];
	v0 =	vsel vm0, v0, v7  }
0x90: {  	s24 =	sadd.s32 $0x1, s21;
	v6 =	vsel vm0, s21, v2;
	v7 =	vmax.f32 v21, v24;
	v21 =	vld [tilespmem:s22+$0x1B0];
	vm13 =	vgt.f32 v1, v0  }
0x91: {  	v2 =	vld [tilespmem:s22+$0xFFFFFE10];
	v0 =	vsel vm13, v1, v0;
	v62 =	vsel vm13, s24, v6;
	v6 =	vmax.f32 v7, v18  }
0x92: {  	s30 =	sadd.s32 $0x2, s21;
	v24 =	vld [tilespmem:s22+$0xFFFFFE90];
	v7 =	vmax.f32 v17, v19;
	v17 =	vmax.f32 v20, v22;
	vm14 =	vgt.f32 v6, v0  }
0x93: {  	v0 =	vsel vm14, v6, v0;
	v1 =	vsel vm14, s30, v62;
	v6 =	vmax.f32 v7, v17;
	v62 =	vld [tilespmem:s22+$0xFFFFFFF0]  }
0x94: {  	v35 =	vmax.f32 v35, v36;
	v10 =	vmax.f32 v10, v11;
	v17 =	vld [tilespmem:$0x1FFA0];
	vm15 =	vgt.f32 v6, v0  }
0x95: {  	s31 =	sadd.s32 $0x3, s21;
	v13 =	vmax.f32 v12, v13;
	v36 =	vmax.f32 v37, v38;
	v7 =	vsel vm15, v6, v0;
	v0 =	vld [tilespmem:s22+$0x0]  }
0x96: {  	v37 =	vmax.f32 v47, v48;
	v38 =	vmax.f32 v49, v50;
	v63 =	vsel vm15, s31, v1;
	v1 =	vld [tilespmem:s22+$0x10]  }
0x97: {  	v11 =	vmax.f32 v23, v25;
	v33 =	vmax.f32 v33, v34;
	v25 =	vmax.f32 v44, v46;
	v6 =	vld [tilespmem:s22+$0xFFFFFE40]  }
0x98: {  	p0 =	slt.u32 s23, $0x7C;
	v23 =	vmax.f32 v55, v56;
	v14 =	vmax.f32 v14, v15;
	v15 =	vmax.f32 v16, v39;
	[tilespmem:$0x1FFB0] =	vst v63;
	v63 =	vld [tilespmem:s22+$0xFFFFFE00]  }
.Ltmp0:
0x99: {  	v18 =	vld [tilespmem:s22+$0xFFFFFE60];
	v12 =	vmax.f32 v26, v27;
	v16 =	vmax.f32 v42, v43;
	v26 =	vmax.f32 v51, v52;
	(pc) =	sbr.rel @p0 .LBB2_3-.Ltmp0, $4  }
0x9a: {  	v19 =	vld [tilespmem:s22+$0xFFFFFE70];
	v27 =	vmax.f32 v28, v29;
	v28 =	vmax.f32 v30, v31;
	v29 =	vmax.f32 v53, v54  }
0x9b: {  	v22 =	vld [tilespmem:s22+$0xFFFFFE80];
	v30 =	vmax.f32 v57, v58;
	v31 =	vmax.f32 v59, v60;
	v44 =	vmax.f32 v3, v5  }
0x9c: {  	v39 =	vld [tilespmem:s22+$0xFFFFFEC0];
	v20 =	vmax.f32 v4, v21;
	v17 =	vmax.f32 v17, v9;
	v34 =	vmax.f32 v61, v62  }
0x9d: {  	s21 =	smov.u32 s23;
	s23 =	sadd.s32 $0x4, s23;
	v9 =	vld [tilespmem:s22+$0xFFFFFEB0];
	s22 =	sadd.s32 $0x400, s22;
	v21 =	vmax.f32 v0, v1;
	v42 =	vmax.f32 v6, v8;
	v43 =	vmax.f32 v63, v2  }
0x9e: {  	v4 =	vmax.f32 v41, v45;
	v5 =	vmax.f32 v17, v10  }
0x9f: {  	v6 =	vmax.f32 v13, v14;
	v8 =	vmax.f32 v15, v20;
	v10 =	vmax.f32 v28, v33  }
0xa0: {  	v13 =	vmax.f32 v35, v36;
	v14 =	vmax.f32 v43, v44;
	v15 =	vmax.f32 v37, v38  }
0xa1: {  	v63 =	vmax.f32 v26, v29;
	v33 =	vmax.f32 v31, v34;
	v0 =	vmax.f32 v18, v19  }
0xa2: {  	v1 =	vmax.f32 v22, v24;
	v3 =	vmax.f32 v39, v40;
	v2 =	vmax.f32 v32, v9  }
0xa3: {  	v0 =	vmax.f32 v42, v0;
	v62 =	vmax.f32 v3, v4;
	v1 =	vmax.f32 v1, v2  }
0xa4: {  	v34 =	vmax.f32 v16, v25;
	v0 =	vmax.f32 v14, v0;
	v1 =	vmax.f32 v1, v62  }
0xa5: {  	v9 =	vmax.f32 v21, v27;
	v32 =	vmax.f32 v23, v30;
	v0 =	vmax.f32 v0, v1  }
0xa6: {  	v2 =	vmax.f32 v15, v63;
	v1 =	vmax.f32 v32, v33;
	vm0 =	vgt.f32 v0, v7  }
0xa7: {  	v35 =	vmax.f32 v9, v10;
	v9 =	vld [tilespmem:$0x1FFC0];
	v1 =	vmax.f32 v2, v1;
	v0 =	vsel vm0, v0, v7  }
0xa8: {  	v3 =	vmax.f32 v13, v34;
	vm1 =	vgt.f32 v1, v0  }
0xa9: {  	v4 =	vmax.f32 v11, v12;
	v36 =	vmax.f32 v35, v3;
	v0 =	vsel vm1, v1, v0  }
0xaa: {  	v37 =	vmax.f32 v5, v6;
	v38 =	vmax.f32 v8, v4;
	vm2 =	vgt.f32 v36, v0  }
0xab: {  	v39 =	vmax.f32 v37, v38;
	v0 =	vsel vm2, v36, v0  }
0xac: {  	vm3 =	vgt.f32 v39, v0  }
0xad: {  	v0 =	vsel vm3, v39, v0  }
0xae: {  	v10 =	vld [tilespmem:$0x1FFD0];
	[tilespmem:$0x10080] =	vst v0  }
0xaf: {  	v40 =	vld.idx.msk [tilespmem:v9+s12+$0x0], $0xffff;
	_ =	sdelay $0x4  }
0xb0: {  	v1 =	vmax.f32 v0, v40  }
0xb1: {  	v11 =	vld [tilespmem:$0x1FFE0];
	[tilespmem:$0x10080] =	vst v1  }
0xb2: {  	v41 =	vld.idx.msk [tilespmem:v10+s12+$0x0], $0xffff;
	_ =	sdelay $0x4  }
0xb3: {  	v1 =	vmax.f32 v1, v41  }
0xb4: {  	v12 =	vld [tilespmem:$0x1FFF0];
	[tilespmem:$0x10080] =	vst v1  }
0xb5: {  	v42 =	vld.idx.msk [tilespmem:v11+s12+$0x0], $0xffff;
	_ =	sdelay $0x4  }
0xb6: {  	v44 =	vld [tilespmem:$0x1FFB0];
	v1 =	vmax.f32 v1, v42  }
0xb7: {  	[tilespmem:$0x10080] =	vst v1  }
0xb8: {  	v43 =	vld.idx.msk [tilespmem:v12+s12+$0x0], $0xffff;
	_ =	sdelay $0x2  }
0xb9: {  	s22 =	sadd.s32 $0x1, s21;
	v3 =	vsel vm0, s21, v44  }
0xba: {  	s28 =	sadd.s32 $0x2, s21;
	v3 =	vsel vm1, s22, v3  }
0xbb: {  	s29 =	sadd.s32 $0x3, s21;
	v3 =	vsel vm2, s28, v3;
	v1 =	vmax.f32 v1, v43  }
0xbc: {  	v45 =	vsel vm3, s29, v3;
	vm9 =	veq.f32 v0, v1  }
0xbd: {  	v0 =	vnsel vm9, $0x100000, v45  }
0xbe: {  	[tilespmem:$0x10100] =	vst v0  }
0xbf: {  	v46 =	vld.idx.msk [tilespmem:v9+s13+$0x0], $0xffff;
	_ =	sdelay $0x4  }
0xc0: {  	vm0 =	vlt.s32 v0, v46  }
0xc1: {  	v0 =	vsel vm0, v0, v46  }
0xc2: {  	[tilespmem:$0x10100] =	vst v0  }
0xc3: {  	v47 =	vld.idx.msk [tilespmem:v10+s13+$0x0], $0xffff;
	_ =	sdelay $0x4  }
0xc4: {  	vm0 =	vlt.s32 v0, v47  }
0xc5: {  	v0 =	vsel vm0, v0, v47  }
0xc6: {  	[tilespmem:$0x10100] =	vst v0  }
0xc7: {  	v48 =	vld.idx.msk [tilespmem:v11+s13+$0x0], $0xffff;
	_ =	sdelay $0x4  }
0xc8: {  	vm0 =	vlt.s32 v0, v48  }
0xc9: {  	v0 =	vsel vm0, v0, v48  }
0xca: {  	[tilespmem:$0x10100] =	vst v0  }
0xcb: {  	v49 =	vld.idx.msk [tilespmem:v12+s13+$0x0], $0xffff;
	_ =	sdelay $0x4  }
0xcc: {  	vm0 =	vlt.s32 v0, v49  }
0xcd: {  	v0 =	vsel vm0, v0, v49  }
0xce: {  	(v2sf) =	vpush v0, $0x0;
	_ =	sdelay $0xe  }
0xcf: {  	s30 =	spop (v2sf)  }
0xd0: {  	s21 =	sshll.u32 s30, $0xA  }
0xd1: {  	s21 =	sshra.s32 s21, $0x2  }
0xd2: {  	v50 =	vld [tilespmem:s21+$0xF0]  }
0xd3: {  	v51 =	vld [tilespmem:s21+$0xE0]  }
0xd4: {  	v4 =	vld [tilespmem:s21+$0xD0]  }
0xd5: {  	v5 =	vld [tilespmem:s21+$0xC0]  }
0xd6: {  	v6 =	vld [tilespmem:s21+$0xB0]  }
0xd7: {  	v53 =	vimm.s32 $0x100000;
	v7 =	vld [tilespmem:s21+$0xA0];
	vm10 =	veq.f32 v50, v1  }
0xd8: {  	v52 =	vld [tilespmem:s21+$0x90];
	vm11 =	veq.f32 v51, v1;
	v3 =	vsel vm10, $0xF, v53  }
0xd9: {  	v8 =	vld [tilespmem:s21+$0x80];
	vm12 =	veq.f32 v4, v1;
	v3 =	vsel vm11, $0xE, v3  }
0xda: {  	v4 =	vld [tilespmem:s21+$0x70];
	vm13 =	veq.f32 v5, v1;
	v3 =	vsel vm12, $0xD, v3  }
0xdb: {  	v5 =	vld [tilespmem:s21+$0x60];
	vm14 =	veq.f32 v6, v1;
	v3 =	vsel vm13, $0xC, v3  }
0xdc: {  	v6 =	vld [tilespmem:s21+$0x50];
	vm15 =	veq.f32 v7, v1;
	v3 =	vsel vm14, $0xB, v3  }
0xdd: {  	v7 =	vld [tilespmem:s21+$0x40];
	vm4 =	veq.f32 v52, v1;
	v54 =	vsel vm15, $0xA, v3  }
0xde: {  	v55 =	vld [tilespmem:s21+$0x30];
	vm5 =	veq.f32 v8, v1;
	v2 =	vsel vm4, $0x9, v54  }
0xdf: {  	v8 =	vld [tilespmem:s21+$0x20];
	vm6 =	veq.f32 v4, v1;
	v2 =	vsel vm5, $0x8, v2  }
0xe0: {  	v4 =	vld [tilespmem:s21+$0x10];
	vm7 =	veq.f32 v5, v1;
	v2 =	vsel vm6, $0x7, v2  }
0xe1: {  	v5 =	vld [tilespmem:s21+$0x0];
	vm8 =	veq.f32 v6, v1;
	v2 =	vsel vm7, $0x6, v2  }
0xe2: {  	vm9 =	veq.f32 v7, v1;
	v2 =	vsel vm8, $0x5, v2  }
0xe3: {  	vm10 =	veq.f32 v55, v1;
	v2 =	vsel vm9, $0x4, v2  }
0xe4: {  	vm11 =	veq.f32 v8, v1;
	v2 =	vsel vm10, $0x3, v2  }
0xe5: {  	vm12 =	veq.f32 v4, v1;
	v2 =	vsel vm11, $0x2, v2  }
0xe6: {  	vm13 =	veq.f32 v5, v1;
	v56 =	vsel vm12, $0x1, v2  }
0xe7: {  	v1 =	vsel vm13, $0x0, v56  }
0xe8: {  	v0 =	vshll.u32 v0, $0x8;
	v57 =	vshll.u32 v1, $0x4  }
0xe9: {  	v4 =	vlaneseq.u32;
	v0 =	vadd.s32 v0, v57  }
0xea: {  	vm14 =	vlt.u32 v1, $0x100000;
	v0 =	vor.u32 v4, v0  }
0xeb: {  	v0 =	vnsel vm14, $0x7FFFFFFF, v0  }
0xec: {  	[tilespmem:$0x10100] =	vst v0  }
0xed: {  	v58 =	vld.idx.msk [tilespmem:v9+s13+$0x0], $0xffff;
	_ =	sdelay $0x4  }
0xee: {  	vm0 =	vlt.s32 v0, v58  }
0xef: {  	v0 =	vsel vm0, v0, v58  }
0xf0: {  	[tilespmem:$0x10100] =	vst v0  }
0xf1: {  	v59 =	vld.idx.msk [tilespmem:v10+s13+$0x0], $0xffff;
	_ =	sdelay $0x4  }
0xf2: {  	vm0 =	vlt.s32 v0, v59  }
0xf3: {  	v0 =	vsel vm0, v0, v59  }
0xf4: {  	[tilespmem:$0x10100] =	vst v0  }
0xf5: {  	v60 =	vld.idx.msk [tilespmem:v11+s13+$0x0], $0xffff;
	_ =	sdelay $0x4  }
0xf6: {  	vm0 =	vlt.s32 v0, v60  }
0xf7: {  	v0 =	vsel vm0, v0, v60  }
0xf8: {  	[tilespmem:$0x10100] =	vst v0  }
0xf9: {  	v61 =	vld.idx.msk [tilespmem:v12+s13+$0x0], $0xffff;
	_ =	sdelay $0x1  }
0xfa: {  	v62 =	vld [tilespmem:$0x10000]  }
0xfb: {  	p0 =	seq.s32 s18, $0x6  }
0xfc: {  	s20 =	sadd.s32 @!p0 $0x2, s20  }
0xfd: {  	v63 =	vmov s19;
	s21 =	sshll.u32 @!p0 s20, $0x4;
	vm0 =	vlt.s32 v0, v61  }
0xfe: {  	s20 =	sshll.u32 @!p0 s20, $0xC;
	s21 =	sand.u32 @!p0 $0x60, s21;
	vm15 =	veq.s32 v63, v4;
	v0 =	vsel vm0, v0, v61  }
0xff: {  	s23 =	simm.s32 @!p0 $0x0;
	s20 =	sand.u32 @!p0 $0xFFF8000, s20;
	s21 =	sadd.s32 @!p0 s1, s21;
	v0 =	vsel vm15, v0, v62  }
0x100: {  	s22 =	simm.s32 @!p0 $0x400;
	s20 =	sadd.s32 @!p0 s20, s21;
	s21 =	simm.s32 @!p0 $0x80;
	[tilespmem:$0x10000] =	vst v0  }
0x101: {  	[tilespmem:s23], [sflag:$0x1] =	stream.strided.gather @!p0 [hbm4b:s20+s21], $0x8000, s22, s21, $0x38;
	[tilespmem:$0x10180] =	vst v63  }
0x102: {  	_ =	swait.ge [sflag:s14], $0x8000  }
0x103: {  	[sflag:s14] =	ssyncset.done $0x0  }
0x104: {  	s31 =	simm.s32 $0x8200;
	[sflag:s14] =	ssyncadd.s32 $0xFFFF8000  }
0x105: {  	v0 =	vld [tilespmem:s31+$0x100]  }
0x106: {  	v1 =	vld [tilespmem:s31+$0x110]  }
0x107: {  	v2 =	vld [tilespmem:s31+$0x120]  }
0x108: {  	v3 =	vld [tilespmem:s31+$0x130]  }
0x109: {  	v4 =	vld [tilespmem:s31+$0x140]  }
0x10a: {  	v5 =	vld [tilespmem:s31+$0x150]  }
0x10b: {  	v6 =	vld [tilespmem:s31+$0x160]  }
0x10c: {  	v7 =	vld [tilespmem:s31+$0x170]  }
0x10d: {  	v8 =	vld [tilespmem:s31+$0x180]  }
0x10e: {  	v9 =	vld [tilespmem:s31+$0x190]  }
0x10f: {  	v11 =	vld [tilespmem:s31+$0x1A0]  }
0x110: {  	v12 =	vld [tilespmem:s31+$0x1B0]  }
0x111: {  	v16 =	vld [tilespmem:s31+$0x1C0]  }
0x112: {  	v22 =	vld [tilespmem:s31+$0x1D0]  }
0x113: {  	v24 =	vld [tilespmem:s31+$0x1E0]  }
0x114: {  	v25 =	vld [tilespmem:s31+$0x1F0]  }
0x115: {  	v19 =	vld [tilespmem:s31+$0x0]  }
0x116: {  	v23 =	vld [tilespmem:s31+$0x10]  }
0x117: {  	v26 =	vld [tilespmem:s31+$0x20]  }
0x118: {  	v27 =	vld [tilespmem:s31+$0x30]  }
0x119: {  	v28 =	vld [tilespmem:s31+$0x40]  }
0x11a: {  	v29 =	vld [tilespmem:s31+$0x50]  }
0x11b: {  	v30 =	vld [tilespmem:s31+$0x60]  }
0x11c: {  	v31 =	vld [tilespmem:s31+$0x70]  }
0x11d: {  	v32 =	vld [tilespmem:s31+$0x80]  }
0x11e: {  	v34 =	vld [tilespmem:s31+$0x90]  }
0x11f: {  	v35 =	vld [tilespmem:s31+$0xA0]  }
0x120: {  	v36 =	vld [tilespmem:s31+$0xB0]  }
0x121: {  	v38 =	vld [tilespmem:s31+$0xC0]  }
0x122: {  	v39 =	vld [tilespmem:s31+$0xD0]  }
0x123: {  	v40 =	vld [tilespmem:s31+$0xE0]  }
0x124: {  	v41 =	vld [tilespmem:s31+$0xF0]  }
0x125: {  	v42 =	vld [tilespmem:s31+$0xFFFFFF00]  }
0x126: {  	v43 =	vld [tilespmem:s31+$0xFFFFFF10]  }
0x127: {  	v44 =	vld [tilespmem:s31+$0xFFFFFF20]  }
0x128: {  	v45 =	vld [tilespmem:s31+$0xFFFFFF30]  }
0x129: {  	v46 =	vld [tilespmem:s31+$0xFFFFFF40]  }
0x12a: {  	v47 =	vld [tilespmem:s31+$0xFFFFFF50]  }
0x12b: {  	v48 =	vld [tilespmem:s31+$0xFFFFFF60]  }
0x12c: {  	v49 =	vld [tilespmem:s31+$0xFFFFFF70]  }
0x12d: {  	v50 =	vld [tilespmem:s31+$0xFFFFFF80]  }
0x12e: {  	v51 =	vld [tilespmem:s31+$0xFFFFFF90]  }
0x12f: {  	v52 =	vld [tilespmem:s31+$0xFFFFFFA0]  }
0x130: {  	v53 =	vld [tilespmem:s31+$0xFFFFFFB0]  }
0x131: {  	v54 =	vld [tilespmem:s31+$0xFFFFFFC0]  }
0x132: {  	v55 =	vld [tilespmem:s31+$0xFFFFFFD0]  }
0x133: {  	v56 =	vld [tilespmem:s31+$0xFFFFFFE0]  }
0x134: {  	v57 =	vld [tilespmem:s31+$0xFFFFFFF0]  }
0x135: {  	v58 =	vld [tilespmem:s31+$0xFFFFFE00]  }
0x136: {  	v59 =	vld [tilespmem:s31+$0xFFFFFE10]  }
0x137: {  	v60 =	vld [tilespmem:s31+$0xFFFFFE20]  }
0x138: {  	v61 =	vld [tilespmem:s31+$0xFFFFFE30]  }
0x139: {  	v62 =	vld [tilespmem:s31+$0xFFFFFE40]  }
0x13a: {  	v63 =	vld [tilespmem:s31+$0xFFFFFE50]  }
0x13b: {  	v18 =	vld [tilespmem:s31+$0xFFFFFE60];
	v17 =	vmax.f32 v0, v1;
	v10 =	vmax.f32 v2, v3  }
0x13c: {  	v21 =	vld [tilespmem:s31+$0xFFFFFE70];
	v13 =	vmax.f32 v4, v5;
	v14 =	vmax.f32 v6, v7;
	v15 =	vmax.f32 v8, v9  }
0x13d: {  	v33 =	vld [tilespmem:s31+$0xFFFFFE90];
	v20 =	vmax.f32 v11, v12;
	v19 =	vmax.f32 v19, v23;
	v11 =	vmax.f32 v16, v22  }
0x13e: {  	v37 =	vld [tilespmem:s31+$0xFFFFFEA0];
	v12 =	vmax.f32 v24, v25;
	v26 =	vmax.f32 v26, v27;
	v27 =	vmax.f32 v28, v29  }
0x13f: {  	v23 =	vld [tilespmem:s31+$0xFFFFFE80];
	v31 =	vmax.f32 v30, v31;
	v34 =	vmax.f32 v32, v34;
	v35 =	vmax.f32 v35, v36  }
0x140: {  	v16 =	vmax.f32 v38, v39;
	v36 =	vmax.f32 v42, v43;
	v38 =	vmax.f32 v44, v45;
	v9 =	vld [tilespmem:s31+$0xFFFFFEB0]  }
0x141: {  	v24 =	vmax.f32 v40, v41;
	v25 =	vmax.f32 v46, v47;
	v28 =	vmax.f32 v48, v49;
	v39 =	vld [tilespmem:s31+$0xFFFFFEC0]  }
0x142: {  	v22 =	vmax.f32 v50, v51;
	v29 =	vmax.f32 v52, v53;
	v30 =	vmax.f32 v54, v55;
	v40 =	vld [tilespmem:s31+$0xFFFFFED0]  }
0x143: {  	v32 =	vmax.f32 v56, v57;
	v7 =	vimm.f32 $-Inf;
	v41 =	vmax.f32 v58, v59;
	v43 =	vld [tilespmem:s31+$0xFFFFFEE0]  }
0x144: {  	s20 =	simm.s32 $0x0;
	s21 =	simm.s32 $0x8600;
	s22 =	simm.s32 $0x4;
	v44 =	vmax.f32 v60, v61;
	v46 =	vimm.s32 $0x0;
	v42 =	vmax.f32 v62, v63;
	v45 =	vld [tilespmem:s31+$0xFFFFFEF0]  }
.LBB2_5:
0x145: {  	v0 =	vld [tilespmem:s21+$0x100]  }
0x146: {  	v5 =	vmax.f32 v17, v10;
	v10 =	vld [tilespmem:s21+$0x120]  }
0x147: {  	v17 =	vmax.f32 v13, v14;
	v13 =	vld [tilespmem:s21+$0x150]  }
0x148: {  	v14 =	vld [tilespmem:s21+$0x160]  }
0x149: {  	v24 =	vmax.f32 v16, v24;
	v16 =	vld [tilespmem:s21+$0x180]  }
0x14a: {  	v60 =	vmax.f32 v25, v28;
	v25 =	vld [tilespmem:s21+$0x1F0]  }
0x14b: {  	v28 =	vld [tilespmem:s21+$0x50]  }
0x14c: {  	v61 =	vmax.f32 v22, v29;
	v29 =	vld [tilespmem:s21+$0x60]  }
0x14d: {  	v62 =	vmax.f32 v30, v32;
	v30 =	vld [tilespmem:s21+$0x70]  }
0x14e: {  	v32 =	vld [tilespmem:s21+$0x80]  }
0x14f: {  	v19 =	vmax.f32 v19, v26;
	v26 =	vmax.f32 v36, v38;
	v36 =	vld [tilespmem:s21+$0xB0]  }
0x150: {  	v38 =	vld [tilespmem:s21+$0xC0]  }
0x151: {  	v47 =	vld [tilespmem:s21+$0xFFFFFF10]  }
0x152: {  	v48 =	vld [tilespmem:s21+$0xFFFFFF20]  }
0x153: {  	v49 =	vld [tilespmem:s21+$0xFFFFFF30]  }
0x154: {  	v50 =	vld [tilespmem:s21+$0xFFFFFF40]  }
0x155: {  	v51 =	vld [tilespmem:s21+$0xFFFFFF50]  }
0x156: {  	v52 =	vld [tilespmem:s21+$0xFFFFFF60]  }
0x157: {  	v53 =	vld [tilespmem:s21+$0xFFFFFF70]  }
0x158: {  	v54 =	vld [tilespmem:s21+$0xFFFFFF80]  }
0x159: {  	v55 =	vld [tilespmem:s21+$0xFFFFFF90]  }
0x15a: {  	v56 =	vld [tilespmem:s21+$0xFFFFFFA0]  }
0x15b: {  	v57 =	vld [tilespmem:s21+$0xFFFFFFB0]  }
0x15c: {  	v8 =	vld [tilespmem:s21+$0xFFFFFE50]  }
0x15d: {  	v2 =	vmax.f32 v37, v9;
	v9 =	vld [tilespmem:s21+$0x110]  }
0x15e: {  	v58 =	vmax.f32 v18, v21;
	v18 =	vmax.f32 v15, v20;
	v20 =	vmax.f32 v11, v12;
	v11 =	vld [tilespmem:s21+$0x130]  }
0x15f: {  	v12 =	vld [tilespmem:s21+$0x140]  }
0x160: {  	v21 =	vmax.f32 v27, v31;
	v31 =	vld [tilespmem:s21+$0x190]  }
0x161: {  	v3 =	vmax.f32 v39, v40;
	v39 =	vld [tilespmem:s21+$0x1A0]  }
0x162: {  	v40 =	vld [tilespmem:s21+$0x1C0]  }
0x163: {  	v27 =	vld [tilespmem:s21+$0x40]  }
0x164: {  	v1 =	vmax.f32 v23, v33;
	v23 =	vmax.f32 v34, v35;
	v34 =	vld [tilespmem:s21+$0x90]  }
0x165: {  	v35 =	vld [tilespmem:s21+$0xA0]  }
0x166: {  	v15 =	vmax.f32 v41, v44;
	v41 =	vld [tilespmem:s21+$0xD0]  }
0x167: {  	v44 =	vld [tilespmem:s21+$0xF0]  }
0x168: {  	v33 =	vld [tilespmem:s21+$0xFFFFFE90]  }
0x169: {  	v37 =	vld [tilespmem:s21+$0xFFFFFEA0]  }
0x16a: {  	v4 =	vmax.f32 v43, v45;
	v43 =	vld [tilespmem:s21+$0xFFFFFEE0]  }
0x16b: {  	v45 =	vld [tilespmem:s21+$0xFFFFFEF0]  }
0x16c: {  	v6 =	vmax.f32 v19, v21;
	v19 =	vld [tilespmem:s21+$0x1B0]  }
0x16d: {  	v1 =	vmax.f32 v1, v2;
	v2 =	vmax.f32 v26, v60;
	v26 =	vld [tilespmem:s21+$0x30]  }
0x16e: {  	[tilespmem:$0x1FF90] =	vst v0;
	v0 =	vmax.f32 v42, v58;
	v42 =	vld [tilespmem:s21+$0xE0]  }
0x16f: {  	v58 =	vld [tilespmem:s21+$0xFFFFFFC0]  }
0x170: {  	v60 =	vld [tilespmem:s21+$0xFFFFFFE0]  }
0x171: {  	v59 =	vmax.f32 v3, v4;
	v3 =	vld [tilespmem:s21+$0xFFFFFE20]  }
0x172: {  	v21 =	vld [tilespmem:s21+$0xFFFFFE70]  }
0x173: {  	v0 =	vmax.f32 v15, v0;
	v15 =	vld [tilespmem:s21+$0x170]  }
0x174: {  	v1 =	vmax.f32 v1, v59;
	v59 =	vld [tilespmem:s21+$0xFFFFFFD0]  }
0x175: {  	v5 =	vmax.f32 v5, v17;
	v17 =	vld [tilespmem:$0x1FF90];
	v0 =	vmax.f32 v0, v1  }
0x176: {  	v1 =	vmax.f32 v61, v62;
	v61 =	vld [tilespmem:s21+$0xFFFFFFF0];
	vm0 =	vgt.f32 v0, v7  }
0x177: {  	v62 =	vld [tilespmem:s21+$0xFFFFFE00];
	v1 =	vmax.f32 v2, v1;
	v0 =	vsel vm0, v0, v7  }
0x178: {  	s23 =	sadd.s32 $0x1, s20;
	v2 =	vld [tilespmem:s21+$0xFFFFFE30];
	v4 =	vsel vm0, s20, v46;
	v7 =	vmax.f32 v23, v24;
	vm13 =	vgt.f32 v1, v0  }
0x179: {  	v24 =	vld [tilespmem:s21+$0x1D0];
	v0 =	vsel vm13, v1, v0;
	v63 =	vsel vm13, s23, v4;
	v4 =	vmax.f32 v6, v7  }
0x17a: {  	v46 =	vld [tilespmem:s21+$0xFFFFFF00];
	v6 =	vmax.f32 v18, v20;
	vm14 =	vgt.f32 v4, v0  }
0x17b: {  	s30 =	sadd.s32 $0x2, s20;
	v10 =	vmax.f32 v10, v11;
	v0 =	vsel vm14, v4, v0;
	v4 =	vmax.f32 v5, v6;
	v5 =	vld [tilespmem:s21+$0x1E0]  }
0x17c: {  	v13 =	vmax.f32 v12, v13;
	v27 =	vmax.f32 v27, v28;
	v1 =	vsel vm14, s30, v63;
	v63 =	vld [tilespmem:s21+$0xFFFFFE10]  }
0x17d: {  	v34 =	vmax.f32 v32, v34;
	v35 =	vmax.f32 v35, v36;
	v6 =	vld [tilespmem:s21+$0xFFFFFE40];
	vm15 =	vgt.f32 v4, v0  }
0x17e: {  	s31 =	sadd.s32 $0x3, s20;
	v28 =	vmax.f32 v52, v53;
	v17 =	vmax.f32 v17, v9;
	v7 =	vsel vm15, v4, v0;
	v0 =	vld [tilespmem:s21+$0x0]  }
0x17f: {  	v14 =	vmax.f32 v14, v15;
	v15 =	vmax.f32 v16, v31;
	v22 =	vsel vm15, s31, v1;
	v1 =	vld [tilespmem:s21+$0x10]  }
0x180: {  	p0 =	slt.u32 s22, $0x7C;
	v20 =	vmax.f32 v39, v19;
	v31 =	vmax.f32 v29, v30;
	v16 =	vmax.f32 v38, v41;
	v4 =	vld [tilespmem:s21+$0x20]  }
.Ltmp1:
0x181: {  	v23 =	vld [tilespmem:s21+$0xFFFFFE80];
	v38 =	vmax.f32 v48, v49;
	v29 =	vmax.f32 v56, v57;
	v30 =	vmax.f32 v58, v59;
	(pc) =	sbr.rel @p0 .LBB2_5-.Ltmp1, $4  }
0x182: {  	v18 =	vld [tilespmem:s21+$0xFFFFFE60];
	v32 =	vmax.f32 v60, v61;
	v11 =	vmax.f32 v40, v24;
	v36 =	vmax.f32 v46, v47  }
0x183: {  	v9 =	vld [tilespmem:s21+$0xFFFFFEB0];
	v24 =	vmax.f32 v42, v44;
	v44 =	vmax.f32 v3, v2;
	v46 =	vmovc v22;
	v22 =	vmax.f32 v54, v55  }
0x184: {  	v39 =	vld [tilespmem:s21+$0xFFFFFEC0];
	v12 =	vmax.f32 v5, v25;
	v25 =	vmax.f32 v50, v51;
	v41 =	vmax.f32 v62, v63  }
0x185: {  	s20 =	smov.u32 s22;
	s22 =	sadd.s32 $0x4, s22;
	v40 =	vld [tilespmem:s21+$0xFFFFFED0];
	s21 =	sadd.s32 $0x400, s21;
	v42 =	vmax.f32 v6, v8;
	v19 =	vmax.f32 v0, v1;
	v26 =	vmax.f32 v4, v26  }
0x186: {  	v1 =	vmax.f32 v23, v33  }
0x187: {  	v4 =	vmax.f32 v43, v45;
	v5 =	vmax.f32 v17, v10;
	v6 =	vmax.f32 v13, v14  }
0x188: {  	v8 =	vmax.f32 v15, v20;
	v56 =	vmax.f32 v19, v26;
	v57 =	vmax.f32 v27, v31  }
0x189: {  	v58 =	vmax.f32 v34, v35;
	v59 =	vmax.f32 v41, v44;
	v60 =	vmax.f32 v36, v38  }
0x18a: {  	v0 =	vmax.f32 v18, v21;
	v2 =	vmax.f32 v37, v9;
	v3 =	vmax.f32 v39, v40  }
0x18b: {  	v0 =	vmax.f32 v42, v0;
	v1 =	vmax.f32 v1, v2;
	v61 =	vmax.f32 v3, v4  }
0x18c: {  	v62 =	vmax.f32 v25, v28;
	v0 =	vmax.f32 v59, v0;
	v1 =	vmax.f32 v1, v61  }
0x18d: {  	v63 =	vmax.f32 v22, v29;
	v14 =	vmax.f32 v30, v32;
	v0 =	vmax.f32 v0, v1  }
0x18e: {  	v2 =	vmax.f32 v60, v62;
	v1 =	vmax.f32 v63, v14;
	vm0 =	vgt.f32 v0, v7  }
0x18f: {  	v16 =	vmax.f32 v16, v24;
	v23 =	vld [tilespmem:$0x1FFC0];
	v1 =	vmax.f32 v2, v1;
	v0 =	vsel vm0, v0, v7  }
0x190: {  	v17 =	vmax.f32 v56, v57;
	v3 =	vmax.f32 v58, v16;
	vm1 =	vgt.f32 v1, v0  }
0x191: {  	v18 =	vmax.f32 v11, v12;
	v19 =	vmax.f32 v17, v3;
	v0 =	vsel vm1, v1, v0  }
0x192: {  	v20 =	vmax.f32 v5, v6;
	v21 =	vmax.f32 v8, v18;
	vm2 =	vgt.f32 v19, v0  }
0x193: {  	v22 =	vmax.f32 v20, v21;
	v0 =	vsel vm2, v19, v0  }
0x194: {  	vm3 =	vgt.f32 v22, v0  }
0x195: {  	v0 =	vsel vm3, v22, v0  }
0x196: {  	v25 =	vld [tilespmem:$0x1FFD0];
	[tilespmem:$0x10080] =	vst v0  }
0x197: {  	v24 =	vld.idx.msk [tilespmem:v23+s12+$0x0], $0xffff;
	_ =	sdelay $0x4  }
0x198: {  	v1 =	vmax.f32 v0, v24  }
0x199: {  	v27 =	vld [tilespmem:$0x1FFE0];
	[tilespmem:$0x10080] =	vst v1  }
0x19a: {  	v26 =	vld.idx.msk [tilespmem:v25+s12+$0x0], $0xffff;
	_ =	sdelay $0x4  }
0x19b: {  	v1 =	vmax.f32 v1, v26  }
0x19c: {  	v29 =	vld [tilespmem:$0x1FFF0];
	[tilespmem:$0x10080] =	vst v1  }
0x19d: {  	v28 =	vld.idx.msk [tilespmem:v27+s12+$0x0], $0xffff;
	_ =	sdelay $0x4  }
0x19e: {  	v1 =	vmax.f32 v1, v28  }
0x19f: {  	[tilespmem:$0x10080] =	vst v1  }
0x1a0: {  	v30 =	vld.idx.msk [tilespmem:v29+s12+$0x0], $0xffff;
	_ =	sdelay $0x2  }
0x1a1: {  	s21 =	sadd.s32 $0x1, s20;
	v31 =	vsel vm0, s20, v46  }
0x1a2: {  	s29 =	sadd.s32 $0x2, s20;
	v3 =	vsel vm1, s21, v31  }
0x1a3: {  	s30 =	sadd.s32 $0x3, s20;
	v3 =	vsel vm2, s29, v3;
	v1 =	vmax.f32 v1, v30  }
0x1a4: {  	v32 =	vsel vm3, s30, v3;
	vm9 =	veq.f32 v0, v1  }
0x1a5: {  	v0 =	vnsel vm9, $0x100000, v32  }
0x1a6: {  	[tilespmem:$0x10100] =	vst v0  }
0x1a7: {  	v33 =	vld.idx.msk [tilespmem:v23+s13+$0x0], $0xffff;
	_ =	sdelay $0x4  }
0x1a8: {  	vm0 =	vlt.s32 v0, v33  }
0x1a9: {  	v0 =	vsel vm0, v0, v33  }
0x1aa: {  	[tilespmem:$0x10100] =	vst v0  }
0x1ab: {  	v34 =	vld.idx.msk [tilespmem:v25+s13+$0x0], $0xffff;
	_ =	sdelay $0x4  }
0x1ac: {  	vm0 =	vlt.s32 v0, v34  }
0x1ad: {  	v0 =	vsel vm0, v0, v34  }
0x1ae: {  	[tilespmem:$0x10100] =	vst v0  }
0x1af: {  	v35 =	vld.idx.msk [tilespmem:v27+s13+$0x0], $0xffff;
	_ =	sdelay $0x4  }
0x1b0: {  	vm0 =	vlt.s32 v0, v35  }
0x1b1: {  	v0 =	vsel vm0, v0, v35  }
0x1b2: {  	[tilespmem:$0x10100] =	vst v0  }
0x1b3: {  	v36 =	vld.idx.msk [tilespmem:v29+s13+$0x0], $0xffff;
	_ =	sdelay $0x4  }
0x1b4: {  	vm0 =	vlt.s32 v0, v36  }
0x1b5: {  	v0 =	vsel vm0, v0, v36  }
0x1b6: {  	(v2sf) =	vpush v0, $0x0;
	_ =	sdelay $0xe  }
0x1b7: {  	s31 =	spop (v2sf)  }
0x1b8: {  	s20 =	sshll.u32 s31, $0xA  }
0x1b9: {  	s20 =	sshra.s32 s20, $0x2  }
0x1ba: {  	v37 =	vld [tilespmem:s20+$0x80F0]  }
0x1bb: {  	v38 =	vld [tilespmem:s20+$0x80E0]  }
0x1bc: {  	v39 =	vld [tilespmem:s20+$0x80D0]  }
0x1bd: {  	v40 =	vld [tilespmem:s20+$0x80C0]  }
0x1be: {  	v41 =	vld [tilespmem:s20+$0x80B0]  }
0x1bf: {  	v44 =	vimm.s32 $0x100000;
	v42 =	vld [tilespmem:s20+$0x80A0];
	vm10 =	veq.f32 v37, v1  }
0x1c0: {  	v43 =	vld [tilespmem:s20+$0x8090];
	vm11 =	veq.f32 v38, v1;
	v3 =	vsel vm10, $0xF, v44  }
0x1c1: {  	v45 =	vld [tilespmem:s20+$0x8080];
	vm12 =	veq.f32 v39, v1;
	v3 =	vsel vm11, $0xE, v3  }
0x1c2: {  	v46 =	vld [tilespmem:s20+$0x8070];
	vm13 =	veq.f32 v40, v1;
	v3 =	vsel vm12, $0xD, v3  }
0x1c3: {  	v47 =	vld [tilespmem:s20+$0x8060];
	vm14 =	veq.f32 v41, v1;
	v3 =	vsel vm13, $0xC, v3  }
0x1c4: {  	v48 =	vld [tilespmem:s20+$0x8050];
	vm15 =	veq.f32 v42, v1;
	v3 =	vsel vm14, $0xB, v3  }
0x1c5: {  	v49 =	vld [tilespmem:s20+$0x8040];
	vm4 =	veq.f32 v43, v1;
	v50 =	vsel vm15, $0xA, v3  }
0x1c6: {  	v51 =	vld [tilespmem:s20+$0x8030];
	vm5 =	veq.f32 v45, v1;
	v2 =	vsel vm4, $0x9, v50  }
0x1c7: {  	v52 =	vld [tilespmem:s20+$0x8020];
	vm6 =	veq.f32 v46, v1;
	v2 =	vsel vm5, $0x8, v2  }
0x1c8: {  	v53 =	vld [tilespmem:s20+$0x8010];
	vm7 =	veq.f32 v47, v1;
	v2 =	vsel vm6, $0x7, v2  }
0x1c9: {  	v54 =	vld [tilespmem:s20+$0x8000];
	vm8 =	veq.f32 v48, v1;
	v2 =	vsel vm7, $0x6, v2  }
0x1ca: {  	vm9 =	veq.f32 v49, v1;
	v2 =	vsel vm8, $0x5, v2  }
0x1cb: {  	vm10 =	veq.f32 v51, v1;
	v2 =	vsel vm9, $0x4, v2  }
0x1cc: {  	vm11 =	veq.f32 v52, v1;
	v2 =	vsel vm10, $0x3, v2  }
0x1cd: {  	vm12 =	veq.f32 v53, v1;
	v2 =	vsel vm11, $0x2, v2  }
0x1ce: {  	vm13 =	veq.f32 v54, v1;
	v55 =	vsel vm12, $0x1, v2  }
0x1cf: {  	v1 =	vsel vm13, $0x0, v55  }
0x1d0: {  	v0 =	vshll.u32 v0, $0x8;
	v56 =	vshll.u32 v1, $0x4  }
0x1d1: {  	v57 =	vlaneseq.u32;
	v0 =	vadd.s32 v0, v56  }
0x1d2: {  	vm14 =	vlt.u32 v1, $0x100000;
	v0 =	vor.u32 v57, v0  }
0x1d3: {  	v0 =	vnsel vm14, $0x7FFFFFFF, v0  }
0x1d4: {  	[tilespmem:$0x10100] =	vst v0  }
0x1d5: {  	v58 =	vld.idx.msk [tilespmem:v23+s13+$0x0], $0xffff;
	_ =	sdelay $0x4  }
0x1d6: {  	vm0 =	vlt.s32 v0, v58  }
0x1d7: {  	v0 =	vsel vm0, v0, v58  }
0x1d8: {  	[tilespmem:$0x10100] =	vst v0  }
0x1d9: {  	v59 =	vld.idx.msk [tilespmem:v25+s13+$0x0], $0xffff;
	_ =	sdelay $0x4  }
0x1da: {  	vm0 =	vlt.s32 v0, v59  }
0x1db: {  	v0 =	vsel vm0, v0, v59  }
0x1dc: {  	[tilespmem:$0x10100] =	vst v0  }
0x1dd: {  	v60 =	vld.idx.msk [tilespmem:v27+s13+$0x0], $0xffff;
	_ =	sdelay $0x4  }
0x1de: {  	vm0 =	vlt.s32 v0, v60  }
0x1df: {  	v0 =	vsel vm0, v0, v60  }
0x1e0: {  	[tilespmem:$0x10100] =	vst v0  }
0x1e1: {  	v61 =	vld.idx.msk [tilespmem:v29+s13+$0x0], $0xffff;
	_ =	sdelay $0x1  }
0x1e2: {  	s18 =	sadd.s32 $0x1, s18;
	v62 =	vld [tilespmem:$0x10000]  }
0x1e3: {  	p0 =	sne.s32 s18, $0x7  }
.Ltmp2:
0x1e4: {  	s19 =	sor.u32 $0x1, s19;
	(pc) =	sbr.rel @p0 .LBB2_2-.Ltmp2, $4  }
0x1e5: {  	v63 =	vmov s19;
	vm0 =	vlt.s32 v0, v61  }
0x1e6: {  	vm15 =	veq.s32 v63, v57;
	v0 =	vsel vm0, v0, v61  }
0x1e7: {  	v0 =	vsel vm15, v0, v62  }
0x1e8: {  	[tilespmem:$0x10000] =	vst v0  }
0x1e9: {  	s17 =	sadd.s32 $0x1, s17  }
0x1ea: {  	p0 =	sne.s32 s17, s7  }
.Ltmp3:
0x1eb: {  	_ = 	snop;
	(pc) =	sbr.rel @p0 .LBB2_1-.Ltmp3, $4  }
0x1ec: {  	[hbm4b:s6+s3] =	stream.linear.scatter [tilespmem:s15], [sflag:$0x3], $0x10, $0x38;
	[tilespmem:$0x10180] =	vst v63  }
0x1ed: {  	_ =	swait.ge [sflag:s16], $0x10  }
0x1ee: {  	[sflag:s16] =	ssyncset.done $0x0  }
0x1ef: {  	[sflag:s16] =	ssyncadd.s32 $0xFFFFFFF0  }
0x1f0: {  	_ =	sfence.sel $0x180000  }
0x1f1: {  	[bflag:$0x0] =	sbarrier.arrive $0xFFFF  }
0x1f2: {  	p0 =	sne.s32 s0, $0x0;
	_ =	strace $0x90000047  }
0x1f3: {  	s0 =	sadd.s32 @!p0 $0x100000, s2;
	[bflag:$0x2] =	sbarrier.arrive $0xFFFF  }
0x1f4: {  	[sflag:s0] =	ssyncadd.tile.s32 @!p0 $0x1;
	_ =	shalt  }
.Lfunc_end2:
_tile_overlayer_lowered:
.L_overlay_start_2:
0x1f5: {  	(tag) =	ssettag $0x2  }
0x1f6: {  	s0 =	rddreg [dreg:$0x0];
	s2 =	stileid.u32  }
0x1f7: {  	s1 =	rddreg [dreg:$0x1];
	p0 =	sne.s32 s2, $0x0  }
0x1f8: {  	s3 =	rddreg [dreg:$0x2];
	[bflag:$0x3] =	sbarrier.arrive $0xFFFF;
	s2 =	simm.s32 @!p0 $0x1C03  }
0x1f9: {  	[timem:s3], [sflag:s2] =	dma.local @!p0 [hbm:s0], s1  }
0x1fa: {  	s0 =	simm.s32 @!p0 $0x3  }
0x1fb: {  	_ =	swait.ge @!p0 [sflag:s0], s1  }
0x1fc: {  	s1 =	ssub.s32 @!p0 $0x0, s1;
	[sflag:s0] =	ssyncset.done @!p0 $0x0  }
0x1fd: {  	[sflag:s0] =	ssyncadd.s32 @!p0 s1  }
0x1fe: {  	[bflag:$0x3] =	sbarrier.arrive $0xFFFF  }
0x1ff: {  	_ =	shalt  }

</sc_bundles>
